<compile_context>
chip_gen: v7x
topology: tpu7x:2x2x1
jax: 0.10.2.dev20260603
libtpu: 0.0.44.dev20260713+nightly
codegen_flags: <defaults>
</compile_context>

<pallas_src>
import functools

import jax
import jax.numpy as jnp
from jax import lax
from jax.experimental import pallas as pl
from jax.experimental.pallas import tpu as pltpu
from jax.experimental.pallas import tpu_sc as plsc

N = 10000
E = 320000
D = 128

NC = 2
NS = 16
NPAD = 10240
RPT = NPAD // NS
K = 80

KC = 128
RBUF = 4
SPB = 2
PADE = 327680

DG_CH = PADE // (NC * NS * KC)
SP_CH = PADE // (NS * KC)


def _deg_body(dst3_hbm, ones_hbm, z_hbm, degp_hbm, dall, ones_v, acc,
              s0, s1, s2, s3):
    cid = lax.axis_index("c")
    sid = lax.axis_index("s")
    wid = cid * NS + sid
    sems = (s0, s1, s2, s3)
    pltpu.sync_copy(ones_hbm, ones_v)
    pltpu.sync_copy(dst3_hbm.at[wid], dall)
    pltpu.sync_copy(z_hbm, acc.at[pl.ds(sid * RPT, RPT)])
    plsc.subcore_barrier()

    def outer(j, _):
        descs = []
        for b in range(RBUF):
            i = j * RBUF + b
            descs.append(pltpu.async_copy(ones_v, acc.at[dall.at[i]],
                                          sems[b], add=True))
        for d in descs:
            d.wait()
        return 0

    lax.fori_loop(0, DG_CH // RBUF, outer, 0)
    plsc.subcore_barrier()
    pltpu.sync_copy(acc.at[pl.ds(sid * RPT, RPT)],
                    degp_hbm.at[cid, pl.ds(sid * RPT, RPT)])


def _sc_degree(dst3):
    mesh = plsc.VectorSubcoreMesh(core_axis_name="c", subcore_axis_name="s")
    ones = jnp.ones((KC, D), jnp.float32)
    zeros = jnp.zeros((RPT, D), jnp.float32)
    kern = pl.kernel(
        _deg_body,
        out_type=jax.ShapeDtypeStruct((NC, NPAD, D), jnp.float32),
        mesh=mesh,
        scratch_types=[
            pltpu.VMEM((DG_CH, KC), jnp.int32),
            pltpu.VMEM((KC, D), jnp.float32),
            pltpu.VMEM_SHARED((NPAD, D), jnp.float32),
            pltpu.SemaphoreType.DMA,
            pltpu.SemaphoreType.DMA,
            pltpu.SemaphoreType.DMA,
            pltpu.SemaphoreType.DMA,
        ],
    )
    return kern(dst3, ones, zeros)


K80 = 80
NBUF = 4
SP_EPT = PADE // NS
SP_IT = SP_EPT // K80


def _spmm_one(tab_hbm, src_hbm, dst_hbm, z_hbm, out_hbm,
              sidx, didx, rows, acc, gsems, ssems, sid):
    pltpu.sync_copy(z_hbm, acc.at[pl.ds(sid * RPT, RPT)])
    plsc.subcore_barrier()

    def step(j, _):
        gds = [None] * NBUF
        sds = [None] * NBUF
        for r in range(NBUF):
            e0 = sid * SP_EPT + (NBUF * j + r) * K80
            pltpu.sync_copy(src_hbm.at[pl.ds(e0, K80)], sidx[r])
            pltpu.sync_copy(dst_hbm.at[pl.ds(e0, K80)], didx[r])
            gds[r] = pltpu.async_copy(tab_hbm.at[sidx[r]], rows[r], gsems[r])
        for r in range(NBUF):
            gds[r].wait()
            sds[r] = pltpu.async_copy(rows[r], acc.at[didx[r]],
                                      ssems[r], add=True)
        for d in sds:
            d.wait()
        return 0

    lax.fori_loop(0, SP_IT // NBUF, step, 0)
    plsc.subcore_barrier()
    pltpu.sync_copy(acc.at[pl.ds(sid * RPT, RPT)],
                    out_hbm.at[pl.ds(sid * RPT, RPT)])


def _spmm_body(a_hbm, b_hbm, src_hbm, dst_hbm, z_hbm, s1_hbm, s2_hbm, *refs):
    cid = lax.axis_index("c")
    sid = lax.axis_index("s")
    sidx = refs[0:NBUF]
    didx = refs[NBUF:2 * NBUF]
    rows = refs[2 * NBUF:3 * NBUF]
    acc = refs[3 * NBUF]
    gsems = refs[3 * NBUF + 1:4 * NBUF + 1]
    ssems = refs[4 * NBUF + 1:5 * NBUF + 1]

    @pl.when(cid == 0)
    def _():
        _spmm_one(a_hbm, src_hbm, dst_hbm, z_hbm, s1_hbm,
                  sidx, didx, rows, acc, gsems, ssems, sid)

    @pl.when(cid == 1)
    def _():
        _spmm_one(b_hbm, src_hbm, dst_hbm, z_hbm, s2_hbm,
                  sidx, didx, rows, acc, gsems, ssems, sid)


def _sc_spmm2(a, b, src, dst):
    mesh = plsc.VectorSubcoreMesh(core_axis_name="c", subcore_axis_name="s")
    zeros = jnp.zeros((RPT, D), jnp.float32)
    kern = pl.kernel(
        _spmm_body,
        out_type=[jax.ShapeDtypeStruct((NPAD, D), jnp.float32),
                  jax.ShapeDtypeStruct((NPAD, D), jnp.float32)],
        mesh=mesh,
        scratch_types=(
            [pltpu.VMEM((K80,), jnp.int32) for _ in range(2 * NBUF)]
            + [pltpu.VMEM((K80, D), jnp.float32) for _ in range(NBUF)]
            + [pltpu.VMEM_SHARED((NPAD, D), jnp.float32)]
            + [pltpu.SemaphoreType.DMA for _ in range(2 * NBUF)]
        ),
    )
    return kern(a, b, src, dst, zeros)


RB = 1000


def _dinv_from(dega_blk, degb_blk):
    return lax.rsqrt(dega_blk + degb_blk + 1.0)


def _prep_body(feat, w1, emb, dega, degb, a_out, b_out):
    dinv = _dinv_from(dega[...], degb[...])
    xw = lax.dot_general(feat[...], w1[...], (((1,), (1,)), ((), ())),
                         preferred_element_type=jnp.float32)
    a_out[...] = dinv * xw
    b_out[...] = dinv * emb[...]


def _tc_prep(features, W1, embeddings, dega, degb):
    grid = (N // RB,)
    return pl.pallas_call(
        _prep_body,
        grid=grid,
        in_specs=[
            pl.BlockSpec((RB, D), lambda i: (i, 0)),
            pl.BlockSpec((D, D), lambda i: (0, 0)),
            pl.BlockSpec((RB, D), lambda i: (i, 0)),
            pl.BlockSpec((RB, D), lambda i: (i, 0)),
            pl.BlockSpec((RB, D), lambda i: (i, 0)),
        ],
        out_specs=[pl.BlockSpec((RB, D), lambda i: (i, 0)),
                   pl.BlockSpec((RB, D), lambda i: (i, 0))],
        out_shape=[jax.ShapeDtypeStruct((N, D), jnp.float32),
                   jax.ShapeDtypeStruct((N, D), jnp.float32)],
    )(features, W1, embeddings, dega, degb)


def _finish_body(s1, s2, a, b, dega, degb, f, b1, out):
    ftf = lax.dot_general(f[...], f[...], (((0,), (0,)), ((), ())),
                          preferred_element_type=jnp.float32)
    p = ftf / (jnp.sqrt(jnp.sum(ftf * ftf)) + 1e-5)
    dinv = _dinv_from(dega[...], degb[...])
    y = dinv * (s2[...] + b[...])
    h = jnp.maximum(dinv * (s1[...] + a[...]) + b1[...], 0.0)
    out[...] = 0.95 * lax.dot_general(y, p, (((1,), (0,)), ((), ())),
                                      preferred_element_type=jnp.float32) + h


def _tc_finish(s1, s2, a, b, dega, degb, F_mat, b1row):
    grid = (N // RB,)
    blk = pl.BlockSpec((RB, D), lambda i: (i, 0))
    return pl.pallas_call(
        _finish_body,
        grid=grid,
        in_specs=[blk, blk, blk, blk, blk, blk,
                  pl.BlockSpec((D, D), lambda i: (0, 0)),
                  pl.BlockSpec((1, D), lambda i: (0, 0))],
        out_specs=blk,
        out_shape=jax.ShapeDtypeStruct((N, D), jnp.float32),
    )(s1, s2, a, b, dega, degb, F_mat, b1row)


def kernel(features, edge_index, W1, b1, F_mat, embeddings):
    src = edge_index[0]
    dst = edge_index[1]
    pad = PADE - E
    srcp = jnp.concatenate([src, jnp.zeros((pad,), jnp.int32)])
    dstp = jnp.concatenate([dst, jnp.full((pad,), NPAD - 1, jnp.int32)])
    dst3d = dstp.reshape(NC * NS, DG_CH, KC)
    degp = _sc_degree(dst3d)
    dega = degp[0, :N]
    degb = degp[1, :N]
    a, b = _tc_prep(features, W1, embeddings, dega, degb)
    s1, s2 = _sc_spmm2(a, b, srcp, dstp)
    return _tc_finish(s1[:N], s2[:N], a, b, dega, degb, F_mat,
                      jnp.reshape(b1, (1, D)))

# --- scband reference (transcript-rebuilt; emitter-appended) ---
"""Pipeline reference for scband-soft-eignn-30064771072227 (READ-ONLY COPY).

The authoritative reference and input builder live on the scoring server;
editing this copy changes nothing except your own understanding.
"""

import jax, jax.numpy as jnp
import numpy as np

N = 10000
E = 320000
D = 128


def setup_inputs(seed: int = 0) -> dict:
    key = jax.random.key(seed)
    ks = jax.random.split(key, 6)
    features = jax.random.normal(ks[0], (N, D), dtype=jnp.float32)
    edge_index = jax.random.randint(ks[1], (2, E), 0, N, dtype=jnp.int32)
    # GCNConv linear weight (xavier-uniform style) and bias
    limit = float(np.sqrt(6.0 / (D + D)))
    W1 = jax.random.uniform(ks[2], (D, D), dtype=jnp.float32, minval=-limit, maxval=limit)
    b1 = jnp.zeros((D,), dtype=jnp.float32)
    # self.F parameter ~ U[0,1)
    F_mat = jax.random.uniform(ks[3], (D, D), dtype=jnp.float32)
    # self.embeddings parameter = 0.01 * U[0,1)
    embeddings = 0.01 * jax.random.uniform(ks[4], (N, D), dtype=jnp.float32)
    return {"features": features, "edge_index": edge_index, "W1": W1, "b1": b1, "F_mat": F_mat, "embeddings": embeddings}


def reference(features, edge_index, W1, b1, F_mat, embeddings):
    n = features.shape[0]
    src = edge_index[0]
    dst = edge_index[1]
    # symmetric GCN normalization with self-loops: A_hat = D^{-1/2}(A+I)D^{-1/2}
    loop = jnp.arange(n, dtype=src.dtype)
    s = jnp.concatenate([src, loop])
    t = jnp.concatenate([dst, loop])
    deg = jax.ops.segment_sum(jnp.ones_like(s, dtype=jnp.float32), t, num_segments=n)
    dinv = jax.lax.rsqrt(jnp.maximum(deg, 1.0))
    w = dinv[s] * dinv[t]

    def spmm(x):
        # out[t] += w * x[s]  (sparse_adj @ x)
        return jax.ops.segment_sum(x[s] * w[:, None], t, num_segments=n)

    # baseGNN with num_layers=2 applies convs[:-1] = one GCNConv, then ReLU (dropout inactive at eval)
    h = spmm(features @ W1.T) + b1
    h = jax.nn.relu(h)
    # project(): F^T F / (||F^T F|| + eps)
    FtF = F_mat.T @ F_mat
    P = FtF / (jnp.linalg.norm(FtF) + 1e-5)
    kappa = 0.95
    out = kappa * (spmm(embeddings) @ P) + h
    return out

if __name__ == "__main__":
    import jax
    _d = setup_inputs()
    print(jax.jit(kernel)(*tuple(_d.values())))

</pallas_src>

<mosaic_0001>
#map = affine_map<(d0, d1) -> (0, 0)>
#map1 = affine_map<(d0, d1) -> (0)>
module attributes {stable_mosaic.version = 14 : i64} {
  func.func @_spmm_body(%arg0: i32, %arg1: i32, %arg2: memref<10000x128xf32, #tpu.memory_space<hbm>>, %arg3: memref<10000x128xf32, #tpu.memory_space<hbm>>, %arg4: memref<327680xi32, #tpu.memory_space<hbm>>, %arg5: memref<327680xi32, #tpu.memory_space<hbm>>, %arg6: memref<640x128xf32, #tpu.memory_space<hbm>>, %arg7: memref<10240x128xf32, #tpu.memory_space<hbm>>, %arg8: memref<10240x128xf32, #tpu.memory_space<hbm>>, %arg9: memref<80xi32, #tpu.memory_space<vmem>>, %arg10: memref<80xi32, #tpu.memory_space<vmem>>, %arg11: memref<80xi32, #tpu.memory_space<vmem>>, %arg12: memref<80xi32, #tpu.memory_space<vmem>>, %arg13: memref<80xi32, #tpu.memory_space<vmem>>, %arg14: memref<80xi32, #tpu.memory_space<vmem>>, %arg15: memref<80xi32, #tpu.memory_space<vmem>>, %arg16: memref<80xi32, #tpu.memory_space<vmem>>, %arg17: memref<80x128xf32, #tpu.memory_space<vmem>>, %arg18: memref<80x128xf32, #tpu.memory_space<vmem>>, %arg19: memref<80x128xf32, #tpu.memory_space<vmem>>, %arg20: memref<80x128xf32, #tpu.memory_space<vmem>>, %arg21: memref<10240x128xf32, #tpu.memory_space<vmem_shared>>, %arg22: memref<!tpu.dma_semaphore, #tpu.memory_space<semaphore_mem>>, %arg23: memref<!tpu.dma_semaphore, #tpu.memory_space<semaphore_mem>>, %arg24: memref<!tpu.dma_semaphore, #tpu.memory_space<semaphore_mem>>, %arg25: memref<!tpu.dma_semaphore, #tpu.memory_space<semaphore_mem>>, %arg26: memref<!tpu.dma_semaphore, #tpu.memory_space<semaphore_mem>>, %arg27: memref<!tpu.dma_semaphore, #tpu.memory_space<semaphore_mem>>, %arg28: memref<!tpu.dma_semaphore, #tpu.memory_space<semaphore_mem>>, %arg29: memref<!tpu.dma_semaphore, #tpu.memory_space<semaphore_mem>>) attributes {dimension_semantics = [#tpu.dimension_semantics<core_parallel>, #tpu.dimension_semantics<subcore_parallel>], iteration_bounds = array<i64: 2, 16>, scalar_prefetch = 0 : i64, scratch_operands = 21 : i64, tpu.core_type = #tpu.core_type<sc_vector_subcore>, window_params = [{transform_indices = #map}, {transform_indices = #map}, {transform_indices = #map1}, {transform_indices = #map1}, {transform_indices = #map}, {transform_indices = #map}, {transform_indices = #map}]} {
    %eq3A = arith.constant 0 : i32
    %eq3A_0 = arith.cmpi eq, %arg0, %eq3A : i32
    %convert_element_type3A = arith.extui %eq3A_0 : i1 to i32
    %cond3A = arith.constant 0 : i32
    %cond3A_1 = arith.cmpi ne, %convert_element_type3A, %cond3A : i32
    scf.if %cond3A_1 {
      %mul3A = arith.constant 640 : i32
      %mul3A_7 = arith.muli %arg1, %mul3A : i32
      "tpu.region"() ({
        %run_scoped3A = tpu.sem_alloc : memref<!tpu.dma_semaphore, #tpu.memory_space<semaphore_mem>>
        %dma_start3A = arith.constant 0 : i32
        %dma_start3A_19 = tpu.memref_slice %arg21[%mul3A_7, %dma_start3A] : memref<10240x128xf32, #tpu.memory_space<vmem_shared>> -> memref<640x128xf32, #tpu.memory_space<vmem_shared>>
        tpu.enqueue_dma source(%arg6 : memref<640x128xf32, #tpu.memory_space<hbm>>) target(%dma_start3A_19 : memref<640x128xf32, #tpu.memory_space<vmem_shared>>) target_semaphore(%run_scoped3A : memref<!tpu.dma_semaphore, #tpu.memory_space<semaphore_mem>>)
        %dma_wait3A = arith.constant 0 : i32
        %dma_wait3A_20 = tpu.memref_slice %arg21[%mul3A_7, %dma_wait3A] : memref<10240x128xf32, #tpu.memory_space<vmem_shared>> -> memref<640x128xf32, #tpu.memory_space<vmem_shared>>
        tpu.wait_dma2 semaphore(%run_scoped3A : memref<!tpu.dma_semaphore, #tpu.memory_space<semaphore_mem>>) src(%arg6 : memref<640x128xf32, #tpu.memory_space<hbm>>) dst(%dma_wait3A_20 : memref<640x128xf32, #tpu.memory_space<vmem_shared>>)
        tpu.yield
      }) : () -> ()
      %barrier3A = arith.constant 0 : index
      tpu.barrier barrier_id(%barrier3A)
      %scan3A = arith.constant 0 : i32
      %scan3A_8 = arith.constant 0 : i32
      %scan3A_9 = arith.constant 64 : i32
      %scan3A_10 = arith.addi %scan3A_8, %scan3A_9 : i32
      %scan3A_11 = arith.constant 1 : i32
      %scan3A_12 = scf.for %scan3A_19 = %scan3A_8 to %scan3A_10 step %scan3A_11 iter_args(%scan3A_20 = %scan3A) -> (i32)  : i32 {
        %mul3A_21 = arith.constant 20480 : i32
        %mul3A_22 = arith.muli %arg1, %mul3A_21 : i32
        %mul3A_23 = arith.constant 4 : i32
        %mul3A_24 = arith.muli %mul3A_23, %scan3A_19 : i32
        %add3A = arith.constant 0 : i32
        %add3A_25 = arith.addi %mul3A_24, %add3A : i32
        %mul3A_26 = arith.constant 80 : i32
        %mul3A_27 = arith.muli %add3A_25, %mul3A_26 : i32
        %add3A_28 = arith.addi %mul3A_22, %mul3A_27 : i32
        "tpu.region"() ({
          %run_scoped3A = tpu.sem_alloc : memref<!tpu.dma_semaphore, #tpu.memory_space<semaphore_mem>>
          %dma_start3A_103 = tpu.memref_slice %arg4[%add3A_28] : memref<327680xi32, #tpu.memory_space<hbm>> -> memref<80xi32, #tpu.memory_space<hbm>>
          %dma_start3A_104 = tpu.memref_slice %arg4[%add3A_28] : memref<327680xi32, #tpu.memory_space<hbm>> -> memref<80xi32, #tpu.memory_space<hbm>>
          tpu.enqueue_dma source(%dma_start3A_104 : memref<80xi32, #tpu.memory_space<hbm>>) target(%arg9 : memref<80xi32, #tpu.memory_space<vmem>>) target_semaphore(%run_scoped3A : memref<!tpu.dma_semaphore, #tpu.memory_space<semaphore_mem>>)
          %dma_wait3A_105 = tpu.memref_slice %arg4[%add3A_28] : memref<327680xi32, #tpu.memory_space<hbm>> -> memref<80xi32, #tpu.memory_space<hbm>>
          %dma_wait3A_106 = tpu.memref_slice %arg4[%add3A_28] : memref<327680xi32, #tpu.memory_space<hbm>> -> memref<80xi32, #tpu.memory_space<hbm>>
          tpu.wait_dma2 semaphore(%run_scoped3A : memref<!tpu.dma_semaphore, #tpu.memory_space<semaphore_mem>>) src(%dma_wait3A_106 : memref<80xi32, #tpu.memory_space<hbm>>) dst(%arg9 : memref<80xi32, #tpu.memory_space<vmem>>)
          tpu.yield
        }) : () -> ()
        "tpu.region"() ({
          %run_scoped3A = tpu.sem_alloc : memref<!tpu.dma_semaphore, #tpu.memory_space<semaphore_mem>>
          %dma_start3A_103 = tpu.memref_slice %arg5[%add3A_28] : memref<327680xi32, #tpu.memory_space<hbm>> -> memref<80xi32, #tpu.memory_space<hbm>>
          %dma_start3A_104 = tpu.memref_slice %arg5[%add3A_28] : memref<327680xi32, #tpu.memory_space<hbm>> -> memref<80xi32, #tpu.memory_space<hbm>>
          tpu.enqueue_dma source(%dma_start3A_104 : memref<80xi32, #tpu.memory_space<hbm>>) target(%arg13 : memref<80xi32, #tpu.memory_space<vmem>>) target_semaphore(%run_scoped3A : memref<!tpu.dma_semaphore, #tpu.memory_space<semaphore_mem>>)
          %dma_wait3A_105 = tpu.memref_slice %arg5[%add3A_28] : memref<327680xi32, #tpu.memory_space<hbm>> -> memref<80xi32, #tpu.memory_space<hbm>>
          %dma_wait3A_106 = tpu.memref_slice %arg5[%add3A_28] : memref<327680xi32, #tpu.memory_space<hbm>> -> memref<80xi32, #tpu.memory_space<hbm>>
          tpu.wait_dma2 semaphore(%run_scoped3A : memref<!tpu.dma_semaphore, #tpu.memory_space<semaphore_mem>>) src(%dma_wait3A_106 : memref<80xi32, #tpu.memory_space<hbm>>) dst(%arg13 : memref<80xi32, #tpu.memory_space<vmem>>)
          tpu.yield
        }) : () -> ()
        %dma_start3A = arith.constant 0 : i32
        %dma_start3A_29 = arith.constant 0 : i32
        %dma_start3A_30 = tpu.memref_slice %arg2[%dma_start3A, %dma_start3A_29] : memref<10000x128xf32, #tpu.memory_space<hbm>> -> memref<10000x128xf32, #tpu.memory_space<hbm>>
        tpu.enqueue_indirect_dma source(%dma_start3A_30 : memref<10000x128xf32, #tpu.memory_space<hbm>>) target(%arg17 : memref<80x128xf32, #tpu.memory_space<vmem>>) offsets(%arg9 : memref<80xi32, #tpu.memory_space<vmem>>) semaphore(%arg22 : memref<!tpu.dma_semaphore, #tpu.memory_space<semaphore_mem>>)
        %mul3A_31 = arith.constant 20480 : i32
        %mul3A_32 = arith.muli %arg1, %mul3A_31 : i32
        %mul3A_33 = arith.constant 4 : i32
        %mul3A_34 = arith.muli %mul3A_33, %scan3A_19 : i32
        %add3A_35 = arith.constant 1 : i32
        %add3A_36 = arith.addi %mul3A_34, %add3A_35 : i32
        %mul3A_37 = arith.constant 80 : i32
        %mul3A_38 = arith.muli %add3A_36, %mul3A_37 : i32
        %add3A_39 = arith.addi %mul3A_32, %mul3A_38 : i32
        "tpu.region"() ({
          %run_scoped3A = tpu.sem_alloc : memref<!tpu.dma_semaphore, #tpu.memory_space<semaphore_mem>>
          %dma_start3A_103 = tpu.memref_slice %arg4[%add3A_39] : memref<327680xi32, #tpu.memory_space<hbm>> -> memref<80xi32, #tpu.memory_space<hbm>>
          %dma_start3A_104 = tpu.memref_slice %arg4[%add3A_39] : memref<327680xi32, #tpu.memory_space<hbm>> -> memref<80xi32, #tpu.memory_space<hbm>>
          tpu.enqueue_dma source(%dma_start3A_104 : memref<80xi32, #tpu.memory_space<hbm>>) target(%arg10 : memref<80xi32, #tpu.memory_space<vmem>>) target_semaphore(%run_scoped3A : memref<!tpu.dma_semaphore, #tpu.memory_space<semaphore_mem>>)
          %dma_wait3A_105 = tpu.memref_slice %arg4[%add3A_39] : memref<327680xi32, #tpu.memory_space<hbm>> -> memref<80xi32, #tpu.memory_space<hbm>>
          %dma_wait3A_106 = tpu.memref_slice %arg4[%add3A_39] : memref<327680xi32, #tpu.memory_space<hbm>> -> memref<80xi32, #tpu.memory_space<hbm>>
          tpu.wait_dma2 semaphore(%run_scoped3A : memref<!tpu.dma_semaphore, #tpu.memory_space<semaphore_mem>>) src(%dma_wait3A_106 : memref<80xi32, #tpu.memory_space<hbm>>) dst(%arg10 : memref<80xi32, #tpu.memory_space<vmem>>)
          tpu.yield
        }) : () -> ()
        "tpu.region"() ({
          %run_scoped3A = tpu.sem_alloc : memref<!tpu.dma_semaphore, #tpu.memory_space<semaphore_mem>>
          %dma_start3A_103 = tpu.memref_slice %arg5[%add3A_39] : memref<327680xi32, #tpu.memory_space<hbm>> -> memref<80xi32, #tpu.memory_space<hbm>>
          %dma_start3A_104 = tpu.memref_slice %arg5[%add3A_39] : memref<327680xi32, #tpu.memory_space<hbm>> -> memref<80xi32, #tpu.memory_space<hbm>>
          tpu.enqueue_dma source(%dma_start3A_104 : memref<80xi32, #tpu.memory_space<hbm>>) target(%arg14 : memref<80xi32, #tpu.memory_space<vmem>>) target_semaphore(%run_scoped3A : memref<!tpu.dma_semaphore, #tpu.memory_space<semaphore_mem>>)
          %dma_wait3A_105 = tpu.memref_slice %arg5[%add3A_39] : memref<327680xi32, #tpu.memory_space<hbm>> -> memref<80xi32, #tpu.memory_space<hbm>>
          %dma_wait3A_106 = tpu.memref_slice %arg5[%add3A_39] : memref<327680xi32, #tpu.memory_space<hbm>> -> memref<80xi32, #tpu.memory_space<hbm>>
          tpu.wait_dma2 semaphore(%run_scoped3A : memref<!tpu.dma_semaphore, #tpu.memory_space<semaphore_mem>>) src(%dma_wait3A_106 : memref<80xi32, #tpu.memory_space<hbm>>) dst(%arg14 : memref<80xi32, #tpu.memory_space<vmem>>)
          tpu.yield
        }) : () -> ()
        %dma_start3A_40 = arith.constant 0 : i32
        %dma_start3A_41 = arith.constant 0 : i32
        %dma_start3A_42 = tpu.memref_slice %arg2[%dma_start3A_40, %dma_start3A_41] : memref<10000x128xf32, #tpu.memory_space<hbm>> -> memref<10000x128xf32, #tpu.memory_space<hbm>>
        tpu.enqueue_indirect_dma source(%dma_start3A_42 : memref<10000x128xf32, #tpu.memory_space<hbm>>) target(%arg18 : memref<80x128xf32, #tpu.memory_space<vmem>>) offsets(%arg10 : memref<80xi32, #tpu.memory_space<vmem>>) semaphore(%arg23 : memref<!tpu.dma_semaphore, #tpu.memory_space<semaphore_mem>>)
        %mul3A_43 = arith.constant 20480 : i32
        %mul3A_44 = arith.muli %arg1, %mul3A_43 : i32
        %mul3A_45 = arith.constant 4 : i32
        %mul3A_46 = arith.muli %mul3A_45, %scan3A_19 : i32
        %add3A_47 = arith.constant 2 : i32
        %add3A_48 = arith.addi %mul3A_46, %add3A_47 : i32
        %mul3A_49 = arith.constant 80 : i32
        %mul3A_50 = arith.muli %add3A_48, %mul3A_49 : i32
        %add3A_51 = arith.addi %mul3A_44, %mul3A_50 : i32
        "tpu.region"() ({
          %run_scoped3A = tpu.sem_alloc : memref<!tpu.dma_semaphore, #tpu.memory_space<semaphore_mem>>
          %dma_start3A_103 = tpu.memref_slice %arg4[%add3A_51] : memref<327680xi32, #tpu.memory_space<hbm>> -> memref<80xi32, #tpu.memory_space<hbm>>
          %dma_start3A_104 = tpu.memref_slice %arg4[%add3A_51] : memref<327680xi32, #tpu.memory_space<hbm>> -> memref<80xi32, #tpu.memory_space<hbm>>
          tpu.enqueue_dma source(%dma_start3A_104 : memref<80xi32, #tpu.memory_space<hbm>>) target(%arg11 : memref<80xi32, #tpu.memory_space<vmem>>) target_semaphore(%run_scoped3A : memref<!tpu.dma_semaphore, #tpu.memory_space<semaphore_mem>>)
          %dma_wait3A_105 = tpu.memref_slice %arg4[%add3A_51] : memref<327680xi32, #tpu.memory_space<hbm>> -> memref<80xi32, #tpu.memory_space<hbm>>
          %dma_wait3A_106 = tpu.memref_slice %arg4[%add3A_51] : memref<327680xi32, #tpu.memory_space<hbm>> -> memref<80xi32, #tpu.memory_space<hbm>>
          tpu.wait_dma2 semaphore(%run_scoped3A : memref<!tpu.dma_semaphore, #tpu.memory_space<semaphore_mem>>) src(%dma_wait3A_106 : memref<80xi32, #tpu.memory_space<hbm>>) dst(%arg11 : memref<80xi32, #tpu.memory_space<vmem>>)
          tpu.yield
        }) : () -> ()
        "tpu.region"() ({
          %run_scoped3A = tpu.sem_alloc : memref<!tpu.dma_semaphore, #tpu.memory_space<semaphore_mem>>
          %dma_start3A_103 = tpu.memref_slice %arg5[%add3A_51] : memref<327680xi32, #tpu.memory_space<hbm>> -> memref<80xi32, #tpu.memory_space<hbm>>
          %dma_start3A_104 = tpu.memref_slice %arg5[%add3A_51] : memref<327680xi32, #tpu.memory_space<hbm>> -> memref<80xi32, #tpu.memory_space<hbm>>
          tpu.enqueue_dma source(%dma_start3A_104 : memref<80xi32, #tpu.memory_space<hbm>>) target(%arg15 : memref<80xi32, #tpu.memory_space<vmem>>) target_semaphore(%run_scoped3A : memref<!tpu.dma_semaphore, #tpu.memory_space<semaphore_mem>>)
          %dma_wait3A_105 = tpu.memref_slice %arg5[%add3A_51] : memref<327680xi32, #tpu.memory_space<hbm>> -> memref<80xi32, #tpu.memory_space<hbm>>
          %dma_wait3A_106 = tpu.memref_slice %arg5[%add3A_51] : memref<327680xi32, #tpu.memory_space<hbm>> -> memref<80xi32, #tpu.memory_space<hbm>>
          tpu.wait_dma2 semaphore(%run_scoped3A : memref<!tpu.dma_semaphore, #tpu.memory_space<semaphore_mem>>) src(%dma_wait3A_106 : memref<80xi32, #tpu.memory_space<hbm>>) dst(%arg15 : memref<80xi32, #tpu.memory_space<vmem>>)
          tpu.yield
        }) : () -> ()
        %dma_start3A_52 = arith.constant 0 : i32
        %dma_start3A_53 = arith.constant 0 : i32
        %dma_start3A_54 = tpu.memref_slice %arg2[%dma_start3A_52, %dma_start3A_53] : memref<10000x128xf32, #tpu.memory_space<hbm>> -> memref<10000x128xf32, #tpu.memory_space<hbm>>
        tpu.enqueue_indirect_dma source(%dma_start3A_54 : memref<10000x128xf32, #tpu.memory_space<hbm>>) target(%arg19 : memref<80x128xf32, #tpu.memory_space<vmem>>) offsets(%arg11 : memref<80xi32, #tpu.memory_space<vmem>>) semaphore(%arg24 : memref<!tpu.dma_semaphore, #tpu.memory_space<semaphore_mem>>)
        %mul3A_55 = arith.constant 20480 : i32
        %mul3A_56 = arith.muli %arg1, %mul3A_55 : i32
        %mul3A_57 = arith.constant 4 : i32
        %mul3A_58 = arith.muli %mul3A_57, %scan3A_19 : i32
        %add3A_59 = arith.constant 3 : i32
        %add3A_60 = arith.addi %mul3A_58, %add3A_59 : i32
        %mul3A_61 = arith.constant 80 : i32
        %mul3A_62 = arith.muli %add3A_60, %mul3A_61 : i32
        %add3A_63 = arith.addi %mul3A_56, %mul3A_62 : i32
        "tpu.region"() ({
          %run_scoped3A = tpu.sem_alloc : memref<!tpu.dma_semaphore, #tpu.memory_space<semaphore_mem>>
          %dma_start3A_103 = tpu.memref_slice %arg4[%add3A_63] : memref<327680xi32, #tpu.memory_space<hbm>> -> memref<80xi32, #tpu.memory_space<hbm>>
          %dma_start3A_104 = tpu.memref_slice %arg4[%add3A_63] : memref<327680xi32, #tpu.memory_space<hbm>> -> memref<80xi32, #tpu.memory_space<hbm>>
          tpu.enqueue_dma source(%dma_start3A_104 : memref<80xi32, #tpu.memory_space<hbm>>) target(%arg12 : memref<80xi32, #tpu.memory_space<vmem>>) target_semaphore(%run_scoped3A : memref<!tpu.dma_semaphore, #tpu.memory_space<semaphore_mem>>)
          %dma_wait3A_105 = tpu.memref_slice %arg4[%add3A_63] : memref<327680xi32, #tpu.memory_space<hbm>> -> memref<80xi32, #tpu.memory_space<hbm>>
          %dma_wait3A_106 = tpu.memref_slice %arg4[%add3A_63] : memref<327680xi32, #tpu.memory_space<hbm>> -> memref<80xi32, #tpu.memory_space<hbm>>
          tpu.wait_dma2 semaphore(%run_scoped3A : memref<!tpu.dma_semaphore, #tpu.memory_space<semaphore_mem>>) src(%dma_wait3A_106 : memref<80xi32, #tpu.memory_space<hbm>>) dst(%arg12 : memref<80xi32, #tpu.memory_space<vmem>>)
          tpu.yield
        }) : () -> ()
        "tpu.region"() ({
          %run_scoped3A = tpu.sem_alloc : memref<!tpu.dma_semaphore, #tpu.memory_space<semaphore_mem>>
          %dma_start3A_103 = tpu.memref_slice %arg5[%add3A_63] : memref<327680xi32, #tpu.memory_space<hbm>> -> memref<80xi32, #tpu.memory_space<hbm>>
          %dma_start3A_104 = tpu.memref_slice %arg5[%add3A_63] : memref<327680xi32, #tpu.memory_space<hbm>> -> memref<80xi32, #tpu.memory_space<hbm>>
          tpu.enqueue_dma source(%dma_start3A_104 : memref<80xi32, #tpu.memory_space<hbm>>) target(%arg16 : memref<80xi32, #tpu.memory_space<vmem>>) target_semaphore(%run_scoped3A : memref<!tpu.dma_semaphore, #tpu.memory_space<semaphore_mem>>)
          %dma_wait3A_105 = tpu.memref_slice %arg5[%add3A_63] : memref<327680xi32, #tpu.memory_space<hbm>> -> memref<80xi32, #tpu.memory_space<hbm>>
          %dma_wait3A_106 = tpu.memref_slice %arg5[%add3A_63] : memref<327680xi32, #tpu.memory_space<hbm>> -> memref<80xi32, #tpu.memory_space<hbm>>
          tpu.wait_dma2 semaphore(%run_scoped3A : memref<!tpu.dma_semaphore, #tpu.memory_space<semaphore_mem>>) src(%dma_wait3A_106 : memref<80xi32, #tpu.memory_space<hbm>>) dst(%arg16 : memref<80xi32, #tpu.memory_space<vmem>>)
          tpu.yield
        }) : () -> ()
        %dma_start3A_64 = arith.constant 0 : i32
        %dma_start3A_65 = arith.constant 0 : i32
        %dma_start3A_66 = tpu.memref_slice %arg2[%dma_start3A_64, %dma_start3A_65] : memref<10000x128xf32, #tpu.memory_space<hbm>> -> memref<10000x128xf32, #tpu.memory_space<hbm>>
        tpu.enqueue_indirect_dma source(%dma_start3A_66 : memref<10000x128xf32, #tpu.memory_space<hbm>>) target(%arg20 : memref<80x128xf32, #tpu.memory_space<vmem>>) offsets(%arg12 : memref<80xi32, #tpu.memory_space<vmem>>) semaphore(%arg25 : memref<!tpu.dma_semaphore, #tpu.memory_space<semaphore_mem>>)
        %dma_wait3A = arith.constant 0 : i32
        %dma_wait3A_67 = arith.constant 0 : i32
        %dma_wait3A_68 = tpu.memref_slice %arg2[%dma_wait3A, %dma_wait3A_67] : memref<10000x128xf32, #tpu.memory_space<hbm>> -> memref<10000x128xf32, #tpu.memory_space<hbm>>
        tpu.wait_indirect_dma semaphore(%arg22 : memref<!tpu.dma_semaphore, #tpu.memory_space<semaphore_mem>>) src(%dma_wait3A_68 : memref<10000x128xf32, #tpu.memory_space<hbm>>) dst(%arg17 : memref<80x128xf32, #tpu.memory_space<vmem>>)
        %dma_start3A_69 = arith.constant 0 : i32
        %dma_start3A_70 = arith.constant 0 : i32
        %dma_start3A_71 = tpu.memref_slice %arg21[%dma_start3A_69, %dma_start3A_70] : memref<10240x128xf32, #tpu.memory_space<vmem_shared>> -> memref<10240x128xf32, #tpu.memory_space<vmem_shared>>
        tpu.enqueue_indirect_dma source(%arg17 : memref<80x128xf32, #tpu.memory_space<vmem>>) target(%dma_start3A_71 : memref<10240x128xf32, #tpu.memory_space<vmem_shared>>) offsets(%arg13 : memref<80xi32, #tpu.memory_space<vmem>>) semaphore(%arg26 : memref<!tpu.dma_semaphore, #tpu.memory_space<semaphore_mem>>) {add = true}
        %dma_wait3A_72 = arith.constant 0 : i32
        %dma_wait3A_73 = arith.constant 0 : i32
        %dma_wait3A_74 = tpu.memref_slice %arg2[%dma_wait3A_72, %dma_wait3A_73] : memref<10000x128xf32, #tpu.memory_space<hbm>> -> memref<10000x128xf32, #tpu.memory_space<hbm>>
        tpu.wait_indirect_dma semaphore(%arg23 : memref<!tpu.dma_semaphore, #tpu.memory_space<semaphore_mem>>) src(%dma_wait3A_74 : memref<10000x128xf32, #tpu.memory_space<hbm>>) dst(%arg18 : memref<80x128xf32, #tpu.memory_space<vmem>>)
        %dma_start3A_75 = arith.constant 0 : i32
        %dma_start3A_76 = arith.constant 0 : i32
        %dma_start3A_77 = tpu.memref_slice %arg21[%dma_start3A_75, %dma_start3A_76] : memref<10240x128xf32, #tpu.memory_space<vmem_shared>> -> memref<10240x128xf32, #tpu.memory_space<vmem_shared>>
        tpu.enqueue_indirect_dma source(%arg18 : memref<80x128xf32, #tpu.memory_space<vmem>>) target(%dma_start3A_77 : memref<10240x128xf32, #tpu.memory_space<vmem_shared>>) offsets(%arg14 : memref<80xi32, #tpu.memory_space<vmem>>) semaphore(%arg27 : memref<!tpu.dma_semaphore, #tpu.memory_space<semaphore_mem>>) {add = true}
        %dma_wait3A_78 = arith.constant 0 : i32
        %dma_wait3A_79 = arith.constant 0 : i32
        %dma_wait3A_80 = tpu.memref_slice %arg2[%dma_wait3A_78, %dma_wait3A_79] : memref<10000x128xf32, #tpu.memory_space<hbm>> -> memref<10000x128xf32, #tpu.memory_space<hbm>>
        tpu.wait_indirect_dma semaphore(%arg24 : memref<!tpu.dma_semaphore, #tpu.memory_space<semaphore_mem>>) src(%dma_wait3A_80 : memref<10000x128xf32, #tpu.memory_space<hbm>>) dst(%arg19 : memref<80x128xf32, #tpu.memory_space<vmem>>)
        %dma_start3A_81 = arith.constant 0 : i32
        %dma_start3A_82 = arith.constant 0 : i32
        %dma_start3A_83 = tpu.memref_slice %arg21[%dma_start3A_81, %dma_start3A_82] : memref<10240x128xf32, #tpu.memory_space<vmem_shared>> -> memref<10240x128xf32, #tpu.memory_space<vmem_shared>>
        tpu.enqueue_indirect_dma source(%arg19 : memref<80x128xf32, #tpu.memory_space<vmem>>) target(%dma_start3A_83 : memref<10240x128xf32, #tpu.memory_space<vmem_shared>>) offsets(%arg15 : memref<80xi32, #tpu.memory_space<vmem>>) semaphore(%arg28 : memref<!tpu.dma_semaphore, #tpu.memory_space<semaphore_mem>>) {add = true}
        %dma_wait3A_84 = arith.constant 0 : i32
        %dma_wait3A_85 = arith.constant 0 : i32
        %dma_wait3A_86 = tpu.memref_slice %arg2[%dma_wait3A_84, %dma_wait3A_85] : memref<10000x128xf32, #tpu.memory_space<hbm>> -> memref<10000x128xf32, #tpu.memory_space<hbm>>
        tpu.wait_indirect_dma semaphore(%arg25 : memref<!tpu.dma_semaphore, #tpu.memory_space<semaphore_mem>>) src(%dma_wait3A_86 : memref<10000x128xf32, #tpu.memory_space<hbm>>) dst(%arg20 : memref<80x128xf32, #tpu.memory_space<vmem>>)
        %dma_start3A_87 = arith.constant 0 : i32
        %dma_start3A_88 = arith.constant 0 : i32
        %dma_start3A_89 = tpu.memref_slice %arg21[%dma_start3A_87, %dma_start3A_88] : memref<10240x128xf32, #tpu.memory_space<vmem_shared>> -> memref<10240x128xf32, #tpu.memory_space<vmem_shared>>
        tpu.enqueue_indirect_dma source(%arg20 : memref<80x128xf32, #tpu.memory_space<vmem>>) target(%dma_start3A_89 : memref<10240x128xf32, #tpu.memory_space<vmem_shared>>) offsets(%arg16 : memref<80xi32, #tpu.memory_space<vmem>>) semaphore(%arg29 : memref<!tpu.dma_semaphore, #tpu.memory_space<semaphore_mem>>) {add = true}
        %dma_wait3A_90 = arith.constant 0 : i32
        %dma_wait3A_91 = arith.constant 0 : i32
        %dma_wait3A_92 = tpu.memref_slice %arg21[%dma_wait3A_90, %dma_wait3A_91] : memref<10240x128xf32, #tpu.memory_space<vmem_shared>> -> memref<10240x128xf32, #tpu.memory_space<vmem_shared>>
        tpu.wait_indirect_dma semaphore(%arg26 : memref<!tpu.dma_semaphore, #tpu.memory_space<semaphore_mem>>) src(%arg17 : memref<80x128xf32, #tpu.memory_space<vmem>>) dst(%dma_wait3A_92 : memref<10240x128xf32, #tpu.memory_space<vmem_shared>>)
        %dma_wait3A_93 = arith.constant 0 : i32
        %dma_wait3A_94 = arith.constant 0 : i32
        %dma_wait3A_95 = tpu.memref_slice %arg21[%dma_wait3A_93, %dma_wait3A_94] : memref<10240x128xf32, #tpu.memory_space<vmem_shared>> -> memref<10240x128xf32, #tpu.memory_space<vmem_shared>>
        tpu.wait_indirect_dma semaphore(%arg27 : memref<!tpu.dma_semaphore, #tpu.memory_space<semaphore_mem>>) src(%arg18 : memref<80x128xf32, #tpu.memory_space<vmem>>) dst(%dma_wait3A_95 : memref<10240x128xf32, #tpu.memory_space<vmem_shared>>)
        %dma_wait3A_96 = arith.constant 0 : i32
        %dma_wait3A_97 = arith.constant 0 : i32
        %dma_wait3A_98 = tpu.memref_slice %arg21[%dma_wait3A_96, %dma_wait3A_97] : memref<10240x128xf32, #tpu.memory_space<vmem_shared>> -> memref<10240x128xf32, #tpu.memory_space<vmem_shared>>
        tpu.wait_indirect_dma semaphore(%arg28 : memref<!tpu.dma_semaphore, #tpu.memory_space<semaphore_mem>>) src(%arg19 : memref<80x128xf32, #tpu.memory_space<vmem>>) dst(%dma_wait3A_98 : memref<10240x128xf32, #tpu.memory_space<vmem_shared>>)
        %dma_wait3A_99 = arith.constant 0 : i32
        %dma_wait3A_100 = arith.constant 0 : i32
        %dma_wait3A_101 = tpu.memref_slice %arg21[%dma_wait3A_99, %dma_wait3A_100] : memref<10240x128xf32, #tpu.memory_space<vmem_shared>> -> memref<10240x128xf32, #tpu.memory_space<vmem_shared>>
        tpu.wait_indirect_dma semaphore(%arg29 : memref<!tpu.dma_semaphore, #tpu.memory_space<semaphore_mem>>) src(%arg20 : memref<80x128xf32, #tpu.memory_space<vmem>>) dst(%dma_wait3A_101 : memref<10240x128xf32, #tpu.memory_space<vmem_shared>>)
        %scan3A_102 = arith.constant 0 : i32
        scf.yield %scan3A_102 : i32
      }
      %scan3A_13 = arith.constant 64 : i32
      %barrier3A_14 = arith.constant 0 : index
      tpu.barrier barrier_id(%barrier3A_14)
      %mul3A_15 = arith.constant 640 : i32
      %mul3A_16 = arith.muli %arg1, %mul3A_15 : i32
      %mul3A_17 = arith.constant 640 : i32
      %mul3A_18 = arith.muli %arg1, %mul3A_17 : i32
      "tpu.region"() ({
        %run_scoped3A = tpu.sem_alloc : memref<!tpu.dma_semaphore, #tpu.memory_space<semaphore_mem>>
        %dma_start3A = arith.constant 0 : i32
        %dma_start3A_19 = tpu.memref_slice %arg7[%mul3A_18, %dma_start3A] : memref<10240x128xf32, #tpu.memory_space<hbm>> -> memref<640x128xf32, #tpu.memory_space<hbm>>
        %dma_start3A_20 = arith.constant 0 : i32
        %dma_start3A_21 = tpu.memref_slice %arg21[%mul3A_16, %dma_start3A_20] : memref<10240x128xf32, #tpu.memory_space<vmem_shared>> -> memref<640x128xf32, #tpu.memory_space<vmem_shared>>
        tpu.enqueue_dma source(%dma_start3A_21 : memref<640x128xf32, #tpu.memory_space<vmem_shared>>) target(%dma_start3A_19 : memref<640x128xf32, #tpu.memory_space<hbm>>) target_semaphore(%run_scoped3A : memref<!tpu.dma_semaphore, #tpu.memory_space<semaphore_mem>>)
        %dma_wait3A = arith.constant 0 : i32
        %dma_wait3A_22 = tpu.memref_slice %arg7[%mul3A_18, %dma_wait3A] : memref<10240x128xf32, #tpu.memory_space<hbm>> -> memref<640x128xf32, #tpu.memory_space<hbm>>
        %dma_wait3A_23 = arith.constant 0 : i32
        %dma_wait3A_24 = tpu.memref_slice %arg21[%mul3A_16, %dma_wait3A_23] : memref<10240x128xf32, #tpu.memory_space<vmem_shared>> -> memref<640x128xf32, #tpu.memory_space<vmem_shared>>
        tpu.wait_dma2 semaphore(%run_scoped3A : memref<!tpu.dma_semaphore, #tpu.memory_space<semaphore_mem>>) src(%dma_wait3A_24 : memref<640x128xf32, #tpu.memory_space<vmem_shared>>) dst(%dma_wait3A_22 : memref<640x128xf32, #tpu.memory_space<hbm>>)
        tpu.yield
      }) : () -> ()
    } else {
    }
    %eq3A_2 = arith.constant 1 : i32
    %eq3A_3 = arith.cmpi eq, %arg0, %eq3A_2 : i32
    %convert_element_type3A_4 = arith.extui %eq3A_3 : i1 to i32
    %cond3A_5 = arith.constant 0 : i32
    %cond3A_6 = arith.cmpi ne, %convert_element_type3A_4, %cond3A_5 : i32
    scf.if %cond3A_6 {
      %mul3A = arith.constant 640 : i32
      %mul3A_7 = arith.muli %arg1, %mul3A : i32
      "tpu.region"() ({
        %run_scoped3A = tpu.sem_alloc : memref<!tpu.dma_semaphore, #tpu.memory_space<semaphore_mem>>
        %dma_start3A = arith.constant 0 : i32
        %dma_start3A_19 = tpu.memref_slice %arg21[%mul3A_7, %dma_start3A] : memref<10240x128xf32, #tpu.memory_space<vmem_shared>> -> memref<640x128xf32, #tpu.memory_space<vmem_shared>>
        tpu.enqueue_dma source(%arg6 : memref<640x128xf32, #tpu.memory_space<hbm>>) target(%dma_start3A_19 : memref<640x128xf32, #tpu.memory_space<vmem_shared>>) target_semaphore(%run_scoped3A : memref<!tpu.dma_semaphore, #tpu.memory_space<semaphore_mem>>)
        %dma_wait3A = arith.constant 0 : i32
        %dma_wait3A_20 = tpu.memref_slice %arg21[%mul3A_7, %dma_wait3A] : memref<10240x128xf32, #tpu.memory_space<vmem_shared>> -> memref<640x128xf32, #tpu.memory_space<vmem_shared>>
        tpu.wait_dma2 semaphore(%run_scoped3A : memref<!tpu.dma_semaphore, #tpu.memory_space<semaphore_mem>>) src(%arg6 : memref<640x128xf32, #tpu.memory_space<hbm>>) dst(%dma_wait3A_20 : memref<640x128xf32, #tpu.memory_space<vmem_shared>>)
        tpu.yield
      }) : () -> ()
      %barrier3A = arith.constant 0 : index
      tpu.barrier barrier_id(%barrier3A)
      %scan3A = arith.constant 0 : i32
      %scan3A_8 = arith.constant 0 : i32
      %scan3A_9 = arith.constant 64 : i32
      %scan3A_10 = arith.addi %scan3A_8, %scan3A_9 : i32
      %scan3A_11 = arith.constant 1 : i32
      %scan3A_12 = scf.for %scan3A_19 = %scan3A_8 to %scan3A_10 step %scan3A_11 iter_args(%scan3A_20 = %scan3A) -> (i32)  : i32 {
        %mul3A_21 = arith.constant 20480 : i32
        %mul3A_22 = arith.muli %arg1, %mul3A_21 : i32
        %mul3A_23 = arith.constant 4 : i32
        %mul3A_24 = arith.muli %mul3A_23, %scan3A_19 : i32
        %add3A = arith.constant 0 : i32
        %add3A_25 = arith.addi %mul3A_24, %add3A : i32
        %mul3A_26 = arith.constant 80 : i32
        %mul3A_27 = arith.muli %add3A_25, %mul3A_26 : i32
        %add3A_28 = arith.addi %mul3A_22, %mul3A_27 : i32
        "tpu.region"() ({
          %run_scoped3A = tpu.sem_alloc : memref<!tpu.dma_semaphore, #tpu.memory_space<semaphore_mem>>
          %dma_start3A_103 = tpu.memref_slice %arg4[%add3A_28] : memref<327680xi32, #tpu.memory_space<hbm>> -> memref<80xi32, #tpu.memory_space<hbm>>
          %dma_start3A_104 = tpu.memref_slice %arg4[%add3A_28] : memref<327680xi32, #tpu.memory_space<hbm>> -> memref<80xi32, #tpu.memory_space<hbm>>
          tpu.enqueue_dma source(%dma_start3A_104 : memref<80xi32, #tpu.memory_space<hbm>>) target(%arg9 : memref<80xi32, #tpu.memory_space<vmem>>) target_semaphore(%run_scoped3A : memref<!tpu.dma_semaphore, #tpu.memory_space<semaphore_mem>>)
          %dma_wait3A_105 = tpu.memref_slice %arg4[%add3A_28] : memref<327680xi32, #tpu.memory_space<hbm>> -> memref<80xi32, #tpu.memory_space<hbm>>
          %dma_wait3A_106 = tpu.memref_slice %arg4[%add3A_28] : memref<327680xi32, #tpu.memory_space<hbm>> -> memref<80xi32, #tpu.memory_space<hbm>>
          tpu.wait_dma2 semaphore(%run_scoped3A : memref<!tpu.dma_semaphore, #tpu.memory_space<semaphore_mem>>) src(%dma_wait3A_106 : memref<80xi32, #tpu.memory_space<hbm>>) dst(%arg9 : memref<80xi32, #tpu.memory_space<vmem>>)
          tpu.yield
        }) : () -> ()
        "tpu.region"() ({
          %run_scoped3A = tpu.sem_alloc : memref<!tpu.dma_semaphore, #tpu.memory_space<semaphore_mem>>
          %dma_start3A_103 = tpu.memref_slice %arg5[%add3A_28] : memref<327680xi32, #tpu.memory_space<hbm>> -> memref<80xi32, #tpu.memory_space<hbm>>
          %dma_start3A_104 = tpu.memref_slice %arg5[%add3A_28] : memref<327680xi32, #tpu.memory_space<hbm>> -> memref<80xi32, #tpu.memory_space<hbm>>
          tpu.enqueue_dma source(%dma_start3A_104 : memref<80xi32, #tpu.memory_space<hbm>>) target(%arg13 : memref<80xi32, #tpu.memory_space<vmem>>) target_semaphore(%run_scoped3A : memref<!tpu.dma_semaphore, #tpu.memory_space<semaphore_mem>>)
          %dma_wait3A_105 = tpu.memref_slice %arg5[%add3A_28] : memref<327680xi32, #tpu.memory_space<hbm>> -> memref<80xi32, #tpu.memory_space<hbm>>
          %dma_wait3A_106 = tpu.memref_slice %arg5[%add3A_28] : memref<327680xi32, #tpu.memory_space<hbm>> -> memref<80xi32, #tpu.memory_space<hbm>>
          tpu.wait_dma2 semaphore(%run_scoped3A : memref<!tpu.dma_semaphore, #tpu.memory_space<semaphore_mem>>) src(%dma_wait3A_106 : memref<80xi32, #tpu.memory_space<hbm>>) dst(%arg13 : memref<80xi32, #tpu.memory_space<vmem>>)
          tpu.yield
        }) : () -> ()
        %dma_start3A = arith.constant 0 : i32
        %dma_start3A_29 = arith.constant 0 : i32
        %dma_start3A_30 = tpu.memref_slice %arg3[%dma_start3A, %dma_start3A_29] : memref<10000x128xf32, #tpu.memory_space<hbm>> -> memref<10000x128xf32, #tpu.memory_space<hbm>>
        tpu.enqueue_indirect_dma source(%dma_start3A_30 : memref<10000x128xf32, #tpu.memory_space<hbm>>) target(%arg17 : memref<80x128xf32, #tpu.memory_space<vmem>>) offsets(%arg9 : memref<80xi32, #tpu.memory_space<vmem>>) semaphore(%arg22 : memref<!tpu.dma_semaphore, #tpu.memory_space<semaphore_mem>>)
        %mul3A_31 = arith.constant 20480 : i32
        %mul3A_32 = arith.muli %arg1, %mul3A_31 : i32
        %mul3A_33 = arith.constant 4 : i32
        %mul3A_34 = arith.muli %mul3A_33, %scan3A_19 : i32
        %add3A_35 = arith.constant 1 : i32
        %add3A_36 = arith.addi %mul3A_34, %add3A_35 : i32
        %mul3A_37 = arith.constant 80 : i32
        %mul3A_38 = arith.muli %add3A_36, %mul3A_37 : i32
        %add3A_39 = arith.addi %mul3A_32, %mul3A_38 : i32
        "tpu.region"() ({
          %run_scoped3A = tpu.sem_alloc : memref<!tpu.dma_semaphore, #tpu.memory_space<semaphore_mem>>
          %dma_start3A_103 = tpu.memref_slice %arg4[%add3A_39] : memref<327680xi32, #tpu.memory_space<hbm>> -> memref<80xi32, #tpu.memory_space<hbm>>
          %dma_start3A_104 = tpu.memref_slice %arg4[%add3A_39] : memref<327680xi32, #tpu.memory_space<hbm>> -> memref<80xi32, #tpu.memory_space<hbm>>
          tpu.enqueue_dma source(%dma_start3A_104 : memref<80xi32, #tpu.memory_space<hbm>>) target(%arg10 : memref<80xi32, #tpu.memory_space<vmem>>) target_semaphore(%run_scoped3A : memref<!tpu.dma_semaphore, #tpu.memory_space<semaphore_mem>>)
          %dma_wait3A_105 = tpu.memref_slice %arg4[%add3A_39] : memref<327680xi32, #tpu.memory_space<hbm>> -> memref<80xi32, #tpu.memory_space<hbm>>
          %dma_wait3A_106 = tpu.memref_slice %arg4[%add3A_39] : memref<327680xi32, #tpu.memory_space<hbm>> -> memref<80xi32, #tpu.memory_space<hbm>>
          tpu.wait_dma2 semaphore(%run_scoped3A : memref<!tpu.dma_semaphore, #tpu.memory_space<semaphore_mem>>) src(%dma_wait3A_106 : memref<80xi32, #tpu.memory_space<hbm>>) dst(%arg10 : memref<80xi32, #tpu.memory_space<vmem>>)
          tpu.yield
        }) : () -> ()
        "tpu.region"() ({
          %run_scoped3A = tpu.sem_alloc : memref<!tpu.dma_semaphore, #tpu.memory_space<semaphore_mem>>
          %dma_start3A_103 = tpu.memref_slice %arg5[%add3A_39] : memref<327680xi32, #tpu.memory_space<hbm>> -> memref<80xi32, #tpu.memory_space<hbm>>
          %dma_start3A_104 = tpu.memref_slice %arg5[%add3A_39] : memref<327680xi32, #tpu.memory_space<hbm>> -> memref<80xi32, #tpu.memory_space<hbm>>
          tpu.enqueue_dma source(%dma_start3A_104 : memref<80xi32, #tpu.memory_space<hbm>>) target(%arg14 : memref<80xi32, #tpu.memory_space<vmem>>) target_semaphore(%run_scoped3A : memref<!tpu.dma_semaphore, #tpu.memory_space<semaphore_mem>>)
          %dma_wait3A_105 = tpu.memref_slice %arg5[%add3A_39] : memref<327680xi32, #tpu.memory_space<hbm>> -> memref<80xi32, #tpu.memory_space<hbm>>
          %dma_wait3A_106 = tpu.memref_slice %arg5[%add3A_39] : memref<327680xi32, #tpu.memory_space<hbm>> -> memref<80xi32, #tpu.memory_space<hbm>>
          tpu.wait_dma2 semaphore(%run_scoped3A : memref<!tpu.dma_semaphore, #tpu.memory_space<semaphore_mem>>) src(%dma_wait3A_106 : memref<80xi32, #tpu.memory_space<hbm>>) dst(%arg14 : memref<80xi32, #tpu.memory_space<vmem>>)
          tpu.yield
        }) : () -> ()
        %dma_start3A_40 = arith.constant 0 : i32
        %dma_start3A_41 = arith.constant 0 : i32
        %dma_start3A_42 = tpu.memref_slice %arg3[%dma_start3A_40, %dma_start3A_41] : memref<10000x128xf32, #tpu.memory_space<hbm>> -> memref<10000x128xf32, #tpu.memory_space<hbm>>
        tpu.enqueue_indirect_dma source(%dma_start3A_42 : memref<10000x128xf32, #tpu.memory_space<hbm>>) target(%arg18 : memref<80x128xf32, #tpu.memory_space<vmem>>) offsets(%arg10 : memref<80xi32, #tpu.memory_space<vmem>>) semaphore(%arg23 : memref<!tpu.dma_semaphore, #tpu.memory_space<semaphore_mem>>)
        %mul3A_43 = arith.constant 20480 : i32
        %mul3A_44 = arith.muli %arg1, %mul3A_43 : i32
        %mul3A_45 = arith.constant 4 : i32
        %mul3A_46 = arith.muli %mul3A_45, %scan3A_19 : i32
        %add3A_47 = arith.constant 2 : i32
        %add3A_48 = arith.addi %mul3A_46, %add3A_47 : i32
        %mul3A_49 = arith.constant 80 : i32
        %mul3A_50 = arith.muli %add3A_48, %mul3A_49 : i32
        %add3A_51 = arith.addi %mul3A_44, %mul3A_50 : i32
        "tpu.region"() ({
          %run_scoped3A = tpu.sem_alloc : memref<!tpu.dma_semaphore, #tpu.memory_space<semaphore_mem>>
          %dma_start3A_103 = tpu.memref_slice %arg4[%add3A_51] : memref<327680xi32, #tpu.memory_space<hbm>> -> memref<80xi32, #tpu.memory_space<hbm>>
          %dma_start3A_104 = tpu.memref_slice %arg4[%add3A_51] : memref<327680xi32, #tpu.memory_space<hbm>> -> memref<80xi32, #tpu.memory_space<hbm>>
          tpu.enqueue_dma source(%dma_start3A_104 : memref<80xi32, #tpu.memory_space<hbm>>) target(%arg11 : memref<80xi32, #tpu.memory_space<vmem>>) target_semaphore(%run_scoped3A : memref<!tpu.dma_semaphore, #tpu.memory_space<semaphore_mem>>)
          %dma_wait3A_105 = tpu.memref_slice %arg4[%add3A_51] : memref<327680xi32, #tpu.memory_space<hbm>> -> memref<80xi32, #tpu.memory_space<hbm>>
          %dma_wait3A_106 = tpu.memref_slice %arg4[%add3A_51] : memref<327680xi32, #tpu.memory_space<hbm>> -> memref<80xi32, #tpu.memory_space<hbm>>
          tpu.wait_dma2 semaphore(%run_scoped3A : memref<!tpu.dma_semaphore, #tpu.memory_space<semaphore_mem>>) src(%dma_wait3A_106 : memref<80xi32, #tpu.memory_space<hbm>>) dst(%arg11 : memref<80xi32, #tpu.memory_space<vmem>>)
          tpu.yield
        }) : () -> ()
        "tpu.region"() ({
          %run_scoped3A = tpu.sem_alloc : memref<!tpu.dma_semaphore, #tpu.memory_space<semaphore_mem>>
          %dma_start3A_103 = tpu.memref_slice %arg5[%add3A_51] : memref<327680xi32, #tpu.memory_space<hbm>> -> memref<80xi32, #tpu.memory_space<hbm>>
          %dma_start3A_104 = tpu.memref_slice %arg5[%add3A_51] : memref<327680xi32, #tpu.memory_space<hbm>> -> memref<80xi32, #tpu.memory_space<hbm>>
          tpu.enqueue_dma source(%dma_start3A_104 : memref<80xi32, #tpu.memory_space<hbm>>) target(%arg15 : memref<80xi32, #tpu.memory_space<vmem>>) target_semaphore(%run_scoped3A : memref<!tpu.dma_semaphore, #tpu.memory_space<semaphore_mem>>)
          %dma_wait3A_105 = tpu.memref_slice %arg5[%add3A_51] : memref<327680xi32, #tpu.memory_space<hbm>> -> memref<80xi32, #tpu.memory_space<hbm>>
          %dma_wait3A_106 = tpu.memref_slice %arg5[%add3A_51] : memref<327680xi32, #tpu.memory_space<hbm>> -> memref<80xi32, #tpu.memory_space<hbm>>
          tpu.wait_dma2 semaphore(%run_scoped3A : memref<!tpu.dma_semaphore, #tpu.memory_space<semaphore_mem>>) src(%dma_wait3A_106 : memref<80xi32, #tpu.memory_space<hbm>>) dst(%arg15 : memref<80xi32, #tpu.memory_space<vmem>>)
          tpu.yield
        }) : () -> ()
        %dma_start3A_52 = arith.constant 0 : i32
        %dma_start3A_53 = arith.constant 0 : i32
        %dma_start3A_54 = tpu.memref_slice %arg3[%dma_start3A_52, %dma_start3A_53] : memref<10000x128xf32, #tpu.memory_space<hbm>> -> memref<10000x128xf32, #tpu.memory_space<hbm>>
        tpu.enqueue_indirect_dma source(%dma_start3A_54 : memref<10000x128xf32, #tpu.memory_space<hbm>>) target(%arg19 : memref<80x128xf32, #tpu.memory_space<vmem>>) offsets(%arg11 : memref<80xi32, #tpu.memory_space<vmem>>) semaphore(%arg24 : memref<!tpu.dma_semaphore, #tpu.memory_space<semaphore_mem>>)
        %mul3A_55 = arith.constant 20480 : i32
        %mul3A_56 = arith.muli %arg1, %mul3A_55 : i32
        %mul3A_57 = arith.constant 4 : i32
        %mul3A_58 = arith.muli %mul3A_57, %scan3A_19 : i32
        %add3A_59 = arith.constant 3 : i32
        %add3A_60 = arith.addi %mul3A_58, %add3A_59 : i32
        %mul3A_61 = arith.constant 80 : i32
        %mul3A_62 = arith.muli %add3A_60, %mul3A_61 : i32
        %add3A_63 = arith.addi %mul3A_56, %mul3A_62 : i32
        "tpu.region"() ({
          %run_scoped3A = tpu.sem_alloc : memref<!tpu.dma_semaphore, #tpu.memory_space<semaphore_mem>>
          %dma_start3A_103 = tpu.memref_slice %arg4[%add3A_63] : memref<327680xi32, #tpu.memory_space<hbm>> -> memref<80xi32, #tpu.memory_space<hbm>>
          %dma_start3A_104 = tpu.memref_slice %arg4[%add3A_63] : memref<327680xi32, #tpu.memory_space<hbm>> -> memref<80xi32, #tpu.memory_space<hbm>>
          tpu.enqueue_dma source(%dma_start3A_104 : memref<80xi32, #tpu.memory_space<hbm>>) target(%arg12 : memref<80xi32, #tpu.memory_space<vmem>>) target_semaphore(%run_scoped3A : memref<!tpu.dma_semaphore, #tpu.memory_space<semaphore_mem>>)
          %dma_wait3A_105 = tpu.memref_slice %arg4[%add3A_63] : memref<327680xi32, #tpu.memory_space<hbm>> -> memref<80xi32, #tpu.memory_space<hbm>>
          %dma_wait3A_106 = tpu.memref_slice %arg4[%add3A_63] : memref<327680xi32, #tpu.memory_space<hbm>> -> memref<80xi32, #tpu.memory_space<hbm>>
          tpu.wait_dma2 semaphore(%run_scoped3A : memref<!tpu.dma_semaphore, #tpu.memory_space<semaphore_mem>>) src(%dma_wait3A_106 : memref<80xi32, #tpu.memory_space<hbm>>) dst(%arg12 : memref<80xi32, #tpu.memory_space<vmem>>)
          tpu.yield
        }) : () -> ()
        "tpu.region"() ({
          %run_scoped3A = tpu.sem_alloc : memref<!tpu.dma_semaphore, #tpu.memory_space<semaphore_mem>>
          %dma_start3A_103 = tpu.memref_slice %arg5[%add3A_63] : memref<327680xi32, #tpu.memory_space<hbm>> -> memref<80xi32, #tpu.memory_space<hbm>>
          %dma_start3A_104 = tpu.memref_slice %arg5[%add3A_63] : memref<327680xi32, #tpu.memory_space<hbm>> -> memref<80xi32, #tpu.memory_space<hbm>>
          tpu.enqueue_dma source(%dma_start3A_104 : memref<80xi32, #tpu.memory_space<hbm>>) target(%arg16 : memref<80xi32, #tpu.memory_space<vmem>>) target_semaphore(%run_scoped3A : memref<!tpu.dma_semaphore, #tpu.memory_space<semaphore_mem>>)
          %dma_wait3A_105 = tpu.memref_slice %arg5[%add3A_63] : memref<327680xi32, #tpu.memory_space<hbm>> -> memref<80xi32, #tpu.memory_space<hbm>>
          %dma_wait3A_106 = tpu.memref_slice %arg5[%add3A_63] : memref<327680xi32, #tpu.memory_space<hbm>> -> memref<80xi32, #tpu.memory_space<hbm>>
          tpu.wait_dma2 semaphore(%run_scoped3A : memref<!tpu.dma_semaphore, #tpu.memory_space<semaphore_mem>>) src(%dma_wait3A_106 : memref<80xi32, #tpu.memory_space<hbm>>) dst(%arg16 : memref<80xi32, #tpu.memory_space<vmem>>)
          tpu.yield
        }) : () -> ()
        %dma_start3A_64 = arith.constant 0 : i32
        %dma_start3A_65 = arith.constant 0 : i32
        %dma_start3A_66 = tpu.memref_slice %arg3[%dma_start3A_64, %dma_start3A_65] : memref<10000x128xf32, #tpu.memory_space<hbm>> -> memref<10000x128xf32, #tpu.memory_space<hbm>>
        tpu.enqueue_indirect_dma source(%dma_start3A_66 : memref<10000x128xf32, #tpu.memory_space<hbm>>) target(%arg20 : memref<80x128xf32, #tpu.memory_space<vmem>>) offsets(%arg12 : memref<80xi32, #tpu.memory_space<vmem>>) semaphore(%arg25 : memref<!tpu.dma_semaphore, #tpu.memory_space<semaphore_mem>>)
        %dma_wait3A = arith.constant 0 : i32
        %dma_wait3A_67 = arith.constant 0 : i32
        %dma_wait3A_68 = tpu.memref_slice %arg3[%dma_wait3A, %dma_wait3A_67] : memref<10000x128xf32, #tpu.memory_space<hbm>> -> memref<10000x128xf32, #tpu.memory_space<hbm>>
        tpu.wait_indirect_dma semaphore(%arg22 : memref<!tpu.dma_semaphore, #tpu.memory_space<semaphore_mem>>) src(%dma_wait3A_68 : memref<10000x128xf32, #tpu.memory_space<hbm>>) dst(%arg17 : memref<80x128xf32, #tpu.memory_space<vmem>>)
        %dma_start3A_69 = arith.constant 0 : i32
        %dma_start3A_70 = arith.constant 0 : i32
        %dma_start3A_71 = tpu.memref_slice %arg21[%dma_start3A_69, %dma_start3A_70] : memref<10240x128xf32, #tpu.memory_space<vmem_shared>> -> memref<10240x128xf32, #tpu.memory_space<vmem_shared>>
        tpu.enqueue_indirect_dma source(%arg17 : memref<80x128xf32, #tpu.memory_space<vmem>>) target(%dma_start3A_71 : memref<10240x128xf32, #tpu.memory_space<vmem_shared>>) offsets(%arg13 : memref<80xi32, #tpu.memory_space<vmem>>) semaphore(%arg26 : memref<!tpu.dma_semaphore, #tpu.memory_space<semaphore_mem>>) {add = true}
        %dma_wait3A_72 = arith.constant 0 : i32
        %dma_wait3A_73 = arith.constant 0 : i32
        %dma_wait3A_74 = tpu.memref_slice %arg3[%dma_wait3A_72, %dma_wait3A_73] : memref<10000x128xf32, #tpu.memory_space<hbm>> -> memref<10000x128xf32, #tpu.memory_space<hbm>>
        tpu.wait_indirect_dma semaphore(%arg23 : memref<!tpu.dma_semaphore, #tpu.memory_space<semaphore_mem>>) src(%dma_wait3A_74 : memref<10000x128xf32, #tpu.memory_space<hbm>>) dst(%arg18 : memref<80x128xf32, #tpu.memory_space<vmem>>)
        %dma_start3A_75 = arith.constant 0 : i32
        %dma_start3A_76 = arith.constant 0 : i32
        %dma_start3A_77 = tpu.memref_slice %arg21[%dma_start3A_75, %dma_start3A_76] : memref<10240x128xf32, #tpu.memory_space<vmem_shared>> -> memref<10240x128xf32, #tpu.memory_space<vmem_shared>>
        tpu.enqueue_indirect_dma source(%arg18 : memref<80x128xf32, #tpu.memory_space<vmem>>) target(%dma_start3A_77 : memref<10240x128xf32, #tpu.memory_space<vmem_shared>>) offsets(%arg14 : memref<80xi32, #tpu.memory_space<vmem>>) semaphore(%arg27 : memref<!tpu.dma_semaphore, #tpu.memory_space<semaphore_mem>>) {add = true}
        %dma_wait3A_78 = arith.constant 0 : i32
        %dma_wait3A_79 = arith.constant 0 : i32
        %dma_wait3A_80 = tpu.memref_slice %arg3[%dma_wait3A_78, %dma_wait3A_79] : memref<10000x128xf32, #tpu.memory_space<hbm>> -> memref<10000x128xf32, #tpu.memory_space<hbm>>
        tpu.wait_indirect_dma semaphore(%arg24 : memref<!tpu.dma_semaphore, #tpu.memory_space<semaphore_mem>>) src(%dma_wait3A_80 : memref<10000x128xf32, #tpu.memory_space<hbm>>) dst(%arg19 : memref<80x128xf32, #tpu.memory_space<vmem>>)
        %dma_start3A_81 = arith.constant 0 : i32
        %dma_start3A_82 = arith.constant 0 : i32
        %dma_start3A_83 = tpu.memref_slice %arg21[%dma_start3A_81, %dma_start3A_82] : memref<10240x128xf32, #tpu.memory_space<vmem_shared>> -> memref<10240x128xf32, #tpu.memory_space<vmem_shared>>
        tpu.enqueue_indirect_dma source(%arg19 : memref<80x128xf32, #tpu.memory_space<vmem>>) target(%dma_start3A_83 : memref<10240x128xf32, #tpu.memory_space<vmem_shared>>) offsets(%arg15 : memref<80xi32, #tpu.memory_space<vmem>>) semaphore(%arg28 : memref<!tpu.dma_semaphore, #tpu.memory_space<semaphore_mem>>) {add = true}
        %dma_wait3A_84 = arith.constant 0 : i32
        %dma_wait3A_85 = arith.constant 0 : i32
        %dma_wait3A_86 = tpu.memref_slice %arg3[%dma_wait3A_84, %dma_wait3A_85] : memref<10000x128xf32, #tpu.memory_space<hbm>> -> memref<10000x128xf32, #tpu.memory_space<hbm>>
        tpu.wait_indirect_dma semaphore(%arg25 : memref<!tpu.dma_semaphore, #tpu.memory_space<semaphore_mem>>) src(%dma_wait3A_86 : memref<10000x128xf32, #tpu.memory_space<hbm>>) dst(%arg20 : memref<80x128xf32, #tpu.memory_space<vmem>>)
        %dma_start3A_87 = arith.constant 0 : i32
        %dma_start3A_88 = arith.constant 0 : i32
        %dma_start3A_89 = tpu.memref_slice %arg21[%dma_start3A_87, %dma_start3A_88] : memref<10240x128xf32, #tpu.memory_space<vmem_shared>> -> memref<10240x128xf32, #tpu.memory_space<vmem_shared>>
        tpu.enqueue_indirect_dma source(%arg20 : memref<80x128xf32, #tpu.memory_space<vmem>>) target(%dma_start3A_89 : memref<10240x128xf32, #tpu.memory_space<vmem_shared>>) offsets(%arg16 : memref<80xi32, #tpu.memory_space<vmem>>) semaphore(%arg29 : memref<!tpu.dma_semaphore, #tpu.memory_space<semaphore_mem>>) {add = true}
        %dma_wait3A_90 = arith.constant 0 : i32
        %dma_wait3A_91 = arith.constant 0 : i32
        %dma_wait3A_92 = tpu.memref_slice %arg21[%dma_wait3A_90, %dma_wait3A_91] : memref<10240x128xf32, #tpu.memory_space<vmem_shared>> -> memref<10240x128xf32, #tpu.memory_space<vmem_shared>>
        tpu.wait_indirect_dma semaphore(%arg26 : memref<!tpu.dma_semaphore, #tpu.memory_space<semaphore_mem>>) src(%arg17 : memref<80x128xf32, #tpu.memory_space<vmem>>) dst(%dma_wait3A_92 : memref<10240x128xf32, #tpu.memory_space<vmem_shared>>)
        %dma_wait3A_93 = arith.constant 0 : i32
        %dma_wait3A_94 = arith.constant 0 : i32
        %dma_wait3A_95 = tpu.memref_slice %arg21[%dma_wait3A_93, %dma_wait3A_94] : memref<10240x128xf32, #tpu.memory_space<vmem_shared>> -> memref<10240x128xf32, #tpu.memory_space<vmem_shared>>
        tpu.wait_indirect_dma semaphore(%arg27 : memref<!tpu.dma_semaphore, #tpu.memory_space<semaphore_mem>>) src(%arg18 : memref<80x128xf32, #tpu.memory_space<vmem>>) dst(%dma_wait3A_95 : memref<10240x128xf32, #tpu.memory_space<vmem_shared>>)
        %dma_wait3A_96 = arith.constant 0 : i32
        %dma_wait3A_97 = arith.constant 0 : i32
        %dma_wait3A_98 = tpu.memref_slice %arg21[%dma_wait3A_96, %dma_wait3A_97] : memref<10240x128xf32, #tpu.memory_space<vmem_shared>> -> memref<10240x128xf32, #tpu.memory_space<vmem_shared>>
        tpu.wait_indirect_dma semaphore(%arg28 : memref<!tpu.dma_semaphore, #tpu.memory_space<semaphore_mem>>) src(%arg19 : memref<80x128xf32, #tpu.memory_space<vmem>>) dst(%dma_wait3A_98 : memref<10240x128xf32, #tpu.memory_space<vmem_shared>>)
        %dma_wait3A_99 = arith.constant 0 : i32
        %dma_wait3A_100 = arith.constant 0 : i32
        %dma_wait3A_101 = tpu.memref_slice %arg21[%dma_wait3A_99, %dma_wait3A_100] : memref<10240x128xf32, #tpu.memory_space<vmem_shared>> -> memref<10240x128xf32, #tpu.memory_space<vmem_shared>>
        tpu.wait_indirect_dma semaphore(%arg29 : memref<!tpu.dma_semaphore, #tpu.memory_space<semaphore_mem>>) src(%arg20 : memref<80x128xf32, #tpu.memory_space<vmem>>) dst(%dma_wait3A_101 : memref<10240x128xf32, #tpu.memory_space<vmem_shared>>)
        %scan3A_102 = arith.constant 0 : i32
        scf.yield %scan3A_102 : i32
      }
      %scan3A_13 = arith.constant 64 : i32
      %barrier3A_14 = arith.constant 0 : index
      tpu.barrier barrier_id(%barrier3A_14)
      %mul3A_15 = arith.constant 640 : i32
      %mul3A_16 = arith.muli %arg1, %mul3A_15 : i32
      %mul3A_17 = arith.constant 640 : i32
      %mul3A_18 = arith.muli %arg1, %mul3A_17 : i32
      "tpu.region"() ({
        %run_scoped3A = tpu.sem_alloc : memref<!tpu.dma_semaphore, #tpu.memory_space<semaphore_mem>>
        %dma_start3A = arith.constant 0 : i32
        %dma_start3A_19 = tpu.memref_slice %arg8[%mul3A_18, %dma_start3A] : memref<10240x128xf32, #tpu.memory_space<hbm>> -> memref<640x128xf32, #tpu.memory_space<hbm>>
        %dma_start3A_20 = arith.constant 0 : i32
        %dma_start3A_21 = tpu.memref_slice %arg21[%mul3A_16, %dma_start3A_20] : memref<10240x128xf32, #tpu.memory_space<vmem_shared>> -> memref<640x128xf32, #tpu.memory_space<vmem_shared>>
        tpu.enqueue_dma source(%dma_start3A_21 : memref<640x128xf32, #tpu.memory_space<vmem_shared>>) target(%dma_start3A_19 : memref<640x128xf32, #tpu.memory_space<hbm>>) target_semaphore(%run_scoped3A : memref<!tpu.dma_semaphore, #tpu.memory_space<semaphore_mem>>)
        %dma_wait3A = arith.constant 0 : i32
        %dma_wait3A_22 = tpu.memref_slice %arg8[%mul3A_18, %dma_wait3A] : memref<10240x128xf32, #tpu.memory_space<hbm>> -> memref<640x128xf32, #tpu.memory_space<hbm>>
        %dma_wait3A_23 = arith.constant 0 : i32
        %dma_wait3A_24 = tpu.memref_slice %arg21[%mul3A_16, %dma_wait3A_23] : memref<10240x128xf32, #tpu.memory_space<vmem_shared>> -> memref<640x128xf32, #tpu.memory_space<vmem_shared>>
        tpu.wait_dma2 semaphore(%run_scoped3A : memref<!tpu.dma_semaphore, #tpu.memory_space<semaphore_mem>>) src(%dma_wait3A_24 : memref<640x128xf32, #tpu.memory_space<vmem_shared>>) dst(%dma_wait3A_22 : memref<640x128xf32, #tpu.memory_space<hbm>>)
        tpu.yield
      }) : () -> ()
    } else {
    }
    return
  }
}

#map = affine_map<(d0, d1) -> (0, 0, 0)>
#map1 = affine_map<(d0, d1) -> (0, 0)>
module attributes {stable_mosaic.version = 14 : i64} {
  func.func @_deg_body(%arg0: i32, %arg1: i32, %arg2: memref<32x80x128xi32, #tpu.memory_space<hbm>>, %arg3: memref<128x128xf32, #tpu.memory_space<hbm>>, %arg4: memref<640x128xf32, #tpu.memory_space<hbm>>, %arg5: memref<2x10240x128xf32, #tpu.memory_space<hbm>>, %arg6: memref<80x128xi32, #tpu.memory_space<vmem>>, %arg7: memref<128x128xf32, #tpu.memory_space<vmem>>, %arg8: memref<10240x128xf32, #tpu.memory_space<vmem_shared>>, %arg9: memref<!tpu.dma_semaphore, #tpu.memory_space<semaphore_mem>>, %arg10: memref<!tpu.dma_semaphore, #tpu.memory_space<semaphore_mem>>, %arg11: memref<!tpu.dma_semaphore, #tpu.memory_space<semaphore_mem>>, %arg12: memref<!tpu.dma_semaphore, #tpu.memory_space<semaphore_mem>>) attributes {dimension_semantics = [#tpu.dimension_semantics<core_parallel>, #tpu.dimension_semantics<subcore_parallel>], iteration_bounds = array<i64: 2, 16>, scalar_prefetch = 0 : i64, scratch_operands = 7 : i64, tpu.core_type = #tpu.core_type<sc_vector_subcore>, window_params = [{transform_indices = #map}, {transform_indices = #map1}, {transform_indices = #map1}, {transform_indices = #map}]} {
    %mul3A = arith.constant 16 : i32
    %mul3A_0 = arith.muli %arg0, %mul3A : i32
    %add3A = arith.addi %mul3A_0, %arg1 : i32
    "tpu.region"() ({
      %run_scoped3A = tpu.sem_alloc : memref<!tpu.dma_semaphore, #tpu.memory_space<semaphore_mem>>
      tpu.enqueue_dma source(%arg3 : memref<128x128xf32, #tpu.memory_space<hbm>>) target(%arg7 : memref<128x128xf32, #tpu.memory_space<vmem>>) target_semaphore(%run_scoped3A : memref<!tpu.dma_semaphore, #tpu.memory_space<semaphore_mem>>)
      tpu.wait_dma2 semaphore(%run_scoped3A : memref<!tpu.dma_semaphore, #tpu.memory_space<semaphore_mem>>) src(%arg3 : memref<128x128xf32, #tpu.memory_space<hbm>>) dst(%arg7 : memref<128x128xf32, #tpu.memory_space<vmem>>)
      tpu.yield
    }) : () -> ()
    "tpu.region"() ({
      %run_scoped3A = tpu.sem_alloc : memref<!tpu.dma_semaphore, #tpu.memory_space<semaphore_mem>>
      %dma_start3A = arith.constant 0 : i32
      %dma_start3A_14 = arith.constant 0 : i32
      %dma_start3A_15 = tpu.memref_slice %arg2[%add3A, %dma_start3A, %dma_start3A_14] : memref<32x80x128xi32, #tpu.memory_space<hbm>> -> memref<1x80x128xi32, #tpu.memory_space<hbm>>
      %dma_start3A_16 = tpu.memref_squeeze %dma_start3A_15 : memref<1x80x128xi32, #tpu.memory_space<hbm>> -> memref<80x128xi32, #tpu.memory_space<hbm>>
      %dma_start3A_17 = arith.constant 0 : i32
      %dma_start3A_18 = arith.constant 0 : i32
      %dma_start3A_19 = tpu.memref_slice %arg2[%add3A, %dma_start3A_17, %dma_start3A_18] : memref<32x80x128xi32, #tpu.memory_space<hbm>> -> memref<1x80x128xi32, #tpu.memory_space<hbm>>
      %dma_start3A_20 = tpu.memref_squeeze %dma_start3A_19 : memref<1x80x128xi32, #tpu.memory_space<hbm>> -> memref<80x128xi32, #tpu.memory_space<hbm>>
      tpu.enqueue_dma source(%dma_start3A_20 : memref<80x128xi32, #tpu.memory_space<hbm>>) target(%arg6 : memref<80x128xi32, #tpu.memory_space<vmem>>) target_semaphore(%run_scoped3A : memref<!tpu.dma_semaphore, #tpu.memory_space<semaphore_mem>>)
      %dma_wait3A = arith.constant 0 : i32
      %dma_wait3A_21 = arith.constant 0 : i32
      %dma_wait3A_22 = tpu.memref_slice %arg2[%add3A, %dma_wait3A, %dma_wait3A_21] : memref<32x80x128xi32, #tpu.memory_space<hbm>> -> memref<1x80x128xi32, #tpu.memory_space<hbm>>
      %dma_wait3A_23 = tpu.memref_squeeze %dma_wait3A_22 : memref<1x80x128xi32, #tpu.memory_space<hbm>> -> memref<80x128xi32, #tpu.memory_space<hbm>>
      %dma_wait3A_24 = arith.constant 0 : i32
      %dma_wait3A_25 = arith.constant 0 : i32
      %dma_wait3A_26 = tpu.memref_slice %arg2[%add3A, %dma_wait3A_24, %dma_wait3A_25] : memref<32x80x128xi32, #tpu.memory_space<hbm>> -> memref<1x80x128xi32, #tpu.memory_space<hbm>>
      %dma_wait3A_27 = tpu.memref_squeeze %dma_wait3A_26 : memref<1x80x128xi32, #tpu.memory_space<hbm>> -> memref<80x128xi32, #tpu.memory_space<hbm>>
      tpu.wait_dma2 semaphore(%run_scoped3A : memref<!tpu.dma_semaphore, #tpu.memory_space<semaphore_mem>>) src(%dma_wait3A_27 : memref<80x128xi32, #tpu.memory_space<hbm>>) dst(%arg6 : memref<80x128xi32, #tpu.memory_space<vmem>>)
      tpu.yield
    }) : () -> ()
    %mul3A_1 = arith.constant 640 : i32
    %mul3A_2 = arith.muli %arg1, %mul3A_1 : i32
    "tpu.region"() ({
      %run_scoped3A = tpu.sem_alloc : memref<!tpu.dma_semaphore, #tpu.memory_space<semaphore_mem>>
      %dma_start3A = arith.constant 0 : i32
      %dma_start3A_14 = tpu.memref_slice %arg8[%mul3A_2, %dma_start3A] : memref<10240x128xf32, #tpu.memory_space<vmem_shared>> -> memref<640x128xf32, #tpu.memory_space<vmem_shared>>
      tpu.enqueue_dma source(%arg4 : memref<640x128xf32, #tpu.memory_space<hbm>>) target(%dma_start3A_14 : memref<640x128xf32, #tpu.memory_space<vmem_shared>>) target_semaphore(%run_scoped3A : memref<!tpu.dma_semaphore, #tpu.memory_space<semaphore_mem>>)
      %dma_wait3A = arith.constant 0 : i32
      %dma_wait3A_15 = tpu.memref_slice %arg8[%mul3A_2, %dma_wait3A] : memref<10240x128xf32, #tpu.memory_space<vmem_shared>> -> memref<640x128xf32, #tpu.memory_space<vmem_shared>>
      tpu.wait_dma2 semaphore(%run_scoped3A : memref<!tpu.dma_semaphore, #tpu.memory_space<semaphore_mem>>) src(%arg4 : memref<640x128xf32, #tpu.memory_space<hbm>>) dst(%dma_wait3A_15 : memref<640x128xf32, #tpu.memory_space<vmem_shared>>)
      tpu.yield
    }) : () -> ()
    %barrier3A = arith.constant 0 : index
    tpu.barrier barrier_id(%barrier3A)
    %scan3A = arith.constant 0 : i32
    %scan3A_3 = arith.constant 0 : i32
    %scan3A_4 = arith.constant 20 : i32
    %scan3A_5 = arith.addi %scan3A_3, %scan3A_4 : i32
    %scan3A_6 = arith.constant 1 : i32
    %scan3A_7 = scf.for %scan3A_14 = %scan3A_3 to %scan3A_5 step %scan3A_6 iter_args(%scan3A_15 = %scan3A) -> (i32)  : i32 {
      %mul3A_16 = arith.constant 4 : i32
      %mul3A_17 = arith.muli %scan3A_14, %mul3A_16 : i32
      %add3A_18 = arith.constant 0 : i32
      %add3A_19 = arith.addi %mul3A_17, %add3A_18 : i32
      %dma_start3A = arith.constant 0 : i32
      %dma_start3A_20 = tpu.memref_slice %arg6[%add3A_19, %dma_start3A] : memref<80x128xi32, #tpu.memory_space<vmem>> -> memref<1x128xi32, #tpu.memory_space<vmem>>
      %dma_start3A_21 = tpu.memref_squeeze %dma_start3A_20 : memref<1x128xi32, #tpu.memory_space<vmem>> -> memref<128xi32, #tpu.memory_space<vmem>>
      %dma_start3A_22 = arith.constant 0 : i32
      %dma_start3A_23 = arith.constant 0 : i32
      %dma_start3A_24 = tpu.memref_slice %arg8[%dma_start3A_22, %dma_start3A_23] : memref<10240x128xf32, #tpu.memory_space<vmem_shared>> -> memref<10240x128xf32, #tpu.memory_space<vmem_shared>>
      tpu.enqueue_indirect_dma source(%arg7 : memref<128x128xf32, #tpu.memory_space<vmem>>) target(%dma_start3A_24 : memref<10240x128xf32, #tpu.memory_space<vmem_shared>>) offsets(%dma_start3A_21 : memref<128xi32, #tpu.memory_space<vmem>>) semaphore(%arg9 : memref<!tpu.dma_semaphore, #tpu.memory_space<semaphore_mem>>) {add = true}
      %mul3A_25 = arith.constant 4 : i32
      %mul3A_26 = arith.muli %scan3A_14, %mul3A_25 : i32
      %add3A_27 = arith.constant 1 : i32
      %add3A_28 = arith.addi %mul3A_26, %add3A_27 : i32
      %dma_start3A_29 = arith.constant 0 : i32
      %dma_start3A_30 = tpu.memref_slice %arg6[%add3A_28, %dma_start3A_29] : memref<80x128xi32, #tpu.memory_space<vmem>> -> memref<1x128xi32, #tpu.memory_space<vmem>>
      %dma_start3A_31 = tpu.memref_squeeze %dma_start3A_30 : memref<1x128xi32, #tpu.memory_space<vmem>> -> memref<128xi32, #tpu.memory_space<vmem>>
      %dma_start3A_32 = arith.constant 0 : i32
      %dma_start3A_33 = arith.constant 0 : i32
      %dma_start3A_34 = tpu.memref_slice %arg8[%dma_start3A_32, %dma_start3A_33] : memref<10240x128xf32, #tpu.memory_space<vmem_shared>> -> memref<10240x128xf32, #tpu.memory_space<vmem_shared>>
      tpu.enqueue_indirect_dma source(%arg7 : memref<128x128xf32, #tpu.memory_space<vmem>>) target(%dma_start3A_34 : memref<10240x128xf32, #tpu.memory_space<vmem_shared>>) offsets(%dma_start3A_31 : memref<128xi32, #tpu.memory_space<vmem>>) semaphore(%arg10 : memref<!tpu.dma_semaphore, #tpu.memory_space<semaphore_mem>>) {add = true}
      %mul3A_35 = arith.constant 4 : i32
      %mul3A_36 = arith.muli %scan3A_14, %mul3A_35 : i32
      %add3A_37 = arith.constant 2 : i32
      %add3A_38 = arith.addi %mul3A_36, %add3A_37 : i32
      %dma_start3A_39 = arith.constant 0 : i32
      %dma_start3A_40 = tpu.memref_slice %arg6[%add3A_38, %dma_start3A_39] : memref<80x128xi32, #tpu.memory_space<vmem>> -> memref<1x128xi32, #tpu.memory_space<vmem>>
      %dma_start3A_41 = tpu.memref_squeeze %dma_start3A_40 : memref<1x128xi32, #tpu.memory_space<vmem>> -> memref<128xi32, #tpu.memory_space<vmem>>
      %dma_start3A_42 = arith.constant 0 : i32
      %dma_start3A_43 = arith.constant 0 : i32
      %dma_start3A_44 = tpu.memref_slice %arg8[%dma_start3A_42, %dma_start3A_43] : memref<10240x128xf32, #tpu.memory_space<vmem_shared>> -> memref<10240x128xf32, #tpu.memory_space<vmem_shared>>
      tpu.enqueue_indirect_dma source(%arg7 : memref<128x128xf32, #tpu.memory_space<vmem>>) target(%dma_start3A_44 : memref<10240x128xf32, #tpu.memory_space<vmem_shared>>) offsets(%dma_start3A_41 : memref<128xi32, #tpu.memory_space<vmem>>) semaphore(%arg11 : memref<!tpu.dma_semaphore, #tpu.memory_space<semaphore_mem>>) {add = true}
      %mul3A_45 = arith.constant 4 : i32
      %mul3A_46 = arith.muli %scan3A_14, %mul3A_45 : i32
      %add3A_47 = arith.constant 3 : i32
      %add3A_48 = arith.addi %mul3A_46, %add3A_47 : i32
      %dma_start3A_49 = arith.constant 0 : i32
      %dma_start3A_50 = tpu.memref_slice %arg6[%add3A_48, %dma_start3A_49] : memref<80x128xi32, #tpu.memory_space<vmem>> -> memref<1x128xi32, #tpu.memory_space<vmem>>
      %dma_start3A_51 = tpu.memref_squeeze %dma_start3A_50 : memref<1x128xi32, #tpu.memory_space<vmem>> -> memref<128xi32, #tpu.memory_space<vmem>>
      %dma_start3A_52 = arith.constant 0 : i32
      %dma_start3A_53 = arith.constant 0 : i32
      %dma_start3A_54 = tpu.memref_slice %arg8[%dma_start3A_52, %dma_start3A_53] : memref<10240x128xf32, #tpu.memory_space<vmem_shared>> -> memref<10240x128xf32, #tpu.memory_space<vmem_shared>>
      tpu.enqueue_indirect_dma source(%arg7 : memref<128x128xf32, #tpu.memory_space<vmem>>) target(%dma_start3A_54 : memref<10240x128xf32, #tpu.memory_space<vmem_shared>>) offsets(%dma_start3A_51 : memref<128xi32, #tpu.memory_space<vmem>>) semaphore(%arg12 : memref<!tpu.dma_semaphore, #tpu.memory_space<semaphore_mem>>) {add = true}
      %dma_wait3A = arith.constant 0 : i32
      %dma_wait3A_55 = tpu.memref_slice %arg6[%add3A_19, %dma_wait3A] : memref<80x128xi32, #tpu.memory_space<vmem>> -> memref<1x128xi32, #tpu.memory_space<vmem>>
      %dma_wait3A_56 = tpu.memref_squeeze %dma_wait3A_55 : memref<1x128xi32, #tpu.memory_space<vmem>> -> memref<128xi32, #tpu.memory_space<vmem>>
      %dma_wait3A_57 = arith.constant 0 : i32
      %dma_wait3A_58 = arith.constant 0 : i32
      %dma_wait3A_59 = tpu.memref_slice %arg8[%dma_wait3A_57, %dma_wait3A_58] : memref<10240x128xf32, #tpu.memory_space<vmem_shared>> -> memref<10240x128xf32, #tpu.memory_space<vmem_shared>>
      tpu.wait_indirect_dma semaphore(%arg9 : memref<!tpu.dma_semaphore, #tpu.memory_space<semaphore_mem>>) src(%arg7 : memref<128x128xf32, #tpu.memory_space<vmem>>) dst(%dma_wait3A_59 : memref<10240x128xf32, #tpu.memory_space<vmem_shared>>)
      %dma_wait3A_60 = arith.constant 0 : i32
      %dma_wait3A_61 = tpu.memref_slice %arg6[%add3A_28, %dma_wait3A_60] : memref<80x128xi32, #tpu.memory_space<vmem>> -> memref<1x128xi32, #tpu.memory_space<vmem>>
      %dma_wait3A_62 = tpu.memref_squeeze %dma_wait3A_61 : memref<1x128xi32, #tpu.memory_space<vmem>> -> memref<128xi32, #tpu.memory_space<vmem>>
      %dma_wait3A_63 = arith.constant 0 : i32
      %dma_wait3A_64 = arith.constant 0 : i32
      %dma_wait3A_65 = tpu.memref_slice %arg8[%dma_wait3A_63, %dma_wait3A_64] : memref<10240x128xf32, #tpu.memory_space<vmem_shared>> -> memref<10240x128xf32, #tpu.memory_space<vmem_shared>>
      tpu.wait_indirect_dma semaphore(%arg10 : memref<!tpu.dma_semaphore, #tpu.memory_space<semaphore_mem>>) src(%arg7 : memref<128x128xf32, #tpu.memory_space<vmem>>) dst(%dma_wait3A_65 : memref<10240x128xf32, #tpu.memory_space<vmem_shared>>)
      %dma_wait3A_66 = arith.constant 0 : i32
      %dma_wait3A_67 = tpu.memref_slice %arg6[%add3A_38, %dma_wait3A_66] : memref<80x128xi32, #tpu.memory_space<vmem>> -> memref<1x128xi32, #tpu.memory_space<vmem>>
      %dma_wait3A_68 = tpu.memref_squeeze %dma_wait3A_67 : memref<1x128xi32, #tpu.memory_space<vmem>> -> memref<128xi32, #tpu.memory_space<vmem>>
      %dma_wait3A_69 = arith.constant 0 : i32
      %dma_wait3A_70 = arith.constant 0 : i32
      %dma_wait3A_71 = tpu.memref_slice %arg8[%dma_wait3A_69, %dma_wait3A_70] : memref<10240x128xf32, #tpu.memory_space<vmem_shared>> -> memref<10240x128xf32, #tpu.memory_space<vmem_shared>>
      tpu.wait_indirect_dma semaphore(%arg11 : memref<!tpu.dma_semaphore, #tpu.memory_space<semaphore_mem>>) src(%arg7 : memref<128x128xf32, #tpu.memory_space<vmem>>) dst(%dma_wait3A_71 : memref<10240x128xf32, #tpu.memory_space<vmem_shared>>)
      %dma_wait3A_72 = arith.constant 0 : i32
      %dma_wait3A_73 = tpu.memref_slice %arg6[%add3A_48, %dma_wait3A_72] : memref<80x128xi32, #tpu.memory_space<vmem>> -> memref<1x128xi32, #tpu.memory_space<vmem>>
      %dma_wait3A_74 = tpu.memref_squeeze %dma_wait3A_73 : memref<1x128xi32, #tpu.memory_space<vmem>> -> memref<128xi32, #tpu.memory_space<vmem>>
      %dma_wait3A_75 = arith.constant 0 : i32
      %dma_wait3A_76 = arith.constant 0 : i32
      %dma_wait3A_77 = tpu.memref_slice %arg8[%dma_wait3A_75, %dma_wait3A_76] : memref<10240x128xf32, #tpu.memory_space<vmem_shared>> -> memref<10240x128xf32, #tpu.memory_space<vmem_shared>>
      tpu.wait_indirect_dma semaphore(%arg12 : memref<!tpu.dma_semaphore, #tpu.memory_space<semaphore_mem>>) src(%arg7 : memref<128x128xf32, #tpu.memory_space<vmem>>) dst(%dma_wait3A_77 : memref<10240x128xf32, #tpu.memory_space<vmem_shared>>)
      %scan3A_78 = arith.constant 0 : i32
      scf.yield %scan3A_78 : i32
    }
    %scan3A_8 = arith.constant 20 : i32
    %barrier3A_9 = arith.constant 0 : index
    tpu.barrier barrier_id(%barrier3A_9)
    %mul3A_10 = arith.constant 640 : i32
    %mul3A_11 = arith.muli %arg1, %mul3A_10 : i32
    %mul3A_12 = arith.constant 640 : i32
    %mul3A_13 = arith.muli %arg1, %mul3A_12 : i32
    "tpu.region"() ({
      %run_scoped3A = tpu.sem_alloc : memref<!tpu.dma_semaphore, #tpu.memory_space<semaphore_mem>>
      %dma_start3A = arith.constant 0 : i32
      %dma_start3A_14 = tpu.memref_slice %arg5[%arg0, %mul3A_13, %dma_start3A] : memref<2x10240x128xf32, #tpu.memory_space<hbm>> -> memref<1x640x128xf32, #tpu.memory_space<hbm>>
      %dma_start3A_15 = tpu.memref_squeeze %dma_start3A_14 : memref<1x640x128xf32, #tpu.memory_space<hbm>> -> memref<640x128xf32, #tpu.memory_space<hbm>>
      %dma_start3A_16 = arith.constant 0 : i32
      %dma_start3A_17 = tpu.memref_slice %arg8[%mul3A_11, %dma_start3A_16] : memref<10240x128xf32, #tpu.memory_space<vmem_shared>> -> memref<640x128xf32, #tpu.memory_space<vmem_shared>>
      tpu.enqueue_dma source(%dma_start3A_17 : memref<640x128xf32, #tpu.memory_space<vmem_shared>>) target(%dma_start3A_15 : memref<640x128xf32, #tpu.memory_space<hbm>>) target_semaphore(%run_scoped3A : memref<!tpu.dma_semaphore, #tpu.memory_space<semaphore_mem>>)
      %dma_wait3A = arith.constant 0 : i32
      %dma_wait3A_18 = tpu.memref_slice %arg5[%arg0, %mul3A_13, %dma_wait3A] : memref<2x10240x128xf32, #tpu.memory_space<hbm>> -> memref<1x640x128xf32, #tpu.memory_space<hbm>>
      %dma_wait3A_19 = tpu.memref_squeeze %dma_wait3A_18 : memref<1x640x128xf32, #tpu.memory_space<hbm>> -> memref<640x128xf32, #tpu.memory_space<hbm>>
      %dma_wait3A_20 = arith.constant 0 : i32
      %dma_wait3A_21 = tpu.memref_slice %arg8[%mul3A_11, %dma_wait3A_20] : memref<10240x128xf32, #tpu.memory_space<vmem_shared>> -> memref<640x128xf32, #tpu.memory_space<vmem_shared>>
      tpu.wait_dma2 semaphore(%run_scoped3A : memref<!tpu.dma_semaphore, #tpu.memory_space<semaphore_mem>>) src(%dma_wait3A_21 : memref<640x128xf32, #tpu.memory_space<vmem_shared>>) dst(%dma_wait3A_19 : memref<640x128xf32, #tpu.memory_space<hbm>>)
      tpu.yield
    }) : () -> ()
    return
  }
}

module attributes {stable_mosaic.version = 14 : i64} {
  func.func @_prep_body(%arg0: i32, %arg1: memref<1000x128xf32, #tpu.memory_space<vmem>>, %arg2: memref<128x128xf32, #tpu.memory_space<vmem>>, %arg3: memref<1000x128xf32, #tpu.memory_space<vmem>>, %arg4: memref<1000x128xf32, #tpu.memory_space<vmem>>, %arg5: memref<1000x128xf32, #tpu.memory_space<vmem>>, %arg6: memref<1000x128xf32, #tpu.memory_space<vmem>>, %arg7: memref<1000x128xf32, #tpu.memory_space<vmem>>) attributes {dimension_semantics = [#tpu.dimension_semantics<arbitrary>], iteration_bounds = array<i64: 10>, scalar_prefetch = 0 : i64, scratch_operands = 0 : i64, tpu.core_type = #tpu.core_type<tc>, window_params = [{transform_indices = @transform_0, window_bounds = array<i64: 1000, 128>}, {pipeline_mode = #tpu.pipeline_mode<synchronous>, transform_indices = @transform_1, window_bounds = array<i64: 128, 128>}, {transform_indices = @transform_2, window_bounds = array<i64: 1000, 128>}, {transform_indices = @transform_3, window_bounds = array<i64: 1000, 128>}, {transform_indices = @transform_4, window_bounds = array<i64: 1000, 128>}, {transform_indices = @transform_5, window_bounds = array<i64: 1000, 128>}, {transform_indices = @transform_6, window_bounds = array<i64: 1000, 128>}]} {
    %get3A = arith.constant 0 : index
    %get3A_0 = arith.constant 0 : index
    %get3A_1 = vector.load %arg4[%get3A, %get3A_0] : memref<1000x128xf32, #tpu.memory_space<vmem>>, vector<1000x128xf32>
    %get3A_2 = arith.constant 0 : index
    %get3A_3 = arith.constant 0 : index
    %get3A_4 = vector.load %arg5[%get3A_2, %get3A_3] : memref<1000x128xf32, #tpu.memory_space<vmem>>, vector<1000x128xf32>
    %add3A = arith.addf %get3A_1, %get3A_4 : vector<1000x128xf32>
    %add3A_5 = arith.constant 1.000000e+00 : f32
    %add3A_6 = vector.broadcast %add3A_5 : f32 to vector<1000x128xf32>
    %add3A_7 = arith.addf %add3A, %add3A_6 : vector<1000x128xf32>
    %rsqrt3A = math.rsqrt %add3A_7 : vector<1000x128xf32>
    %get3A_8 = arith.constant 0 : index
    %get3A_9 = arith.constant 0 : index
    %get3A_10 = vector.load %arg1[%get3A_8, %get3A_9] : memref<1000x128xf32, #tpu.memory_space<vmem>>, vector<1000x128xf32>
    %get3A_11 = arith.constant 0 : index
    %get3A_12 = arith.constant 0 : index
    %get3A_13 = vector.load %arg2[%get3A_11, %get3A_12] : memref<128x128xf32, #tpu.memory_space<vmem>>, vector<128x128xf32>
    %dot_general3A = arith.constant dense<0.000000e+00> : vector<1000x128xf32>
    %dot_general3A_14 = tpu.matmul %get3A_10, %get3A_13, %dot_general3A {dimension_numbers = #tpu.dot_dimension_numbers<[1], [1], [0], [0], [0, 0, 1, 0], [], []>, transpose_lhs_hint = false} : vector<1000x128xf32>, vector<128x128xf32>, vector<1000x128xf32> -> vector<1000x128xf32>
    %mul3A = arith.mulf %rsqrt3A, %dot_general3A_14 : vector<1000x128xf32>
    %swap3A = arith.constant 0 : index
    %swap3A_15 = arith.constant 0 : index
    %swap3A_16 = vector.load %arg6[%swap3A, %swap3A_15] : memref<1000x128xf32, #tpu.memory_space<vmem>>, vector<1000x128xf32>
    tpu.vector_store %arg6[%swap3A, %swap3A_15], %mul3A {strides = array<i32>} : memref<1000x128xf32, #tpu.memory_space<vmem>>, vector<1000x128xf32>,
    %get3A_17 = arith.constant 0 : index
    %get3A_18 = arith.constant 0 : index
    %get3A_19 = vector.load %arg3[%get3A_17, %get3A_18] : memref<1000x128xf32, #tpu.memory_space<vmem>>, vector<1000x128xf32>
    %mul3A_20 = arith.mulf %rsqrt3A, %get3A_19 : vector<1000x128xf32>
    %swap3A_21 = arith.constant 0 : index
    %swap3A_22 = arith.constant 0 : index
    %swap3A_23 = vector.load %arg7[%swap3A_21, %swap3A_22] : memref<1000x128xf32, #tpu.memory_space<vmem>>, vector<1000x128xf32>
    tpu.vector_store %arg7[%swap3A_21, %swap3A_22], %mul3A_20 {strides = array<i32>} : memref<1000x128xf32, #tpu.memory_space<vmem>>, vector<1000x128xf32>,
    return
  }
  func.func @transform_0(%arg0: i32) -> (i32, i32) {
    %c0_i32 = arith.constant 0 : i32
    %c0_i32_0 = arith.constant 0 : i32
    return %arg0, %c0_i32 : i32, i32
  }
  func.func @transform_1(%arg0: i32) -> (i32, i32) {
    %c0_i32 = arith.constant 0 : i32
    %c0_i32_0 = arith.constant 0 : i32
    %c0_i32_1 = arith.constant 0 : i32
    return %c0_i32, %c0_i32_0 : i32, i32
  }
  func.func @transform_2(%arg0: i32) -> (i32, i32) {
    %c0_i32 = arith.constant 0 : i32
    %c0_i32_0 = arith.constant 0 : i32
    return %arg0, %c0_i32 : i32, i32
  }
  func.func @transform_3(%arg0: i32) -> (i32, i32) {
    %c0_i32 = arith.constant 0 : i32
    %c0_i32_0 = arith.constant 0 : i32
    return %arg0, %c0_i32 : i32, i32
  }
  func.func @transform_4(%arg0: i32) -> (i32, i32) {
    %c0_i32 = arith.constant 0 : i32
    %c0_i32_0 = arith.constant 0 : i32
    return %arg0, %c0_i32 : i32, i32
  }
  func.func @transform_5(%arg0: i32) -> (i32, i32) {
    %c0_i32 = arith.constant 0 : i32
    %c0_i32_0 = arith.constant 0 : i32
    return %arg0, %c0_i32 : i32, i32
  }
  func.func @transform_6(%arg0: i32) -> (i32, i32) {
    %c0_i32 = arith.constant 0 : i32
    %c0_i32_0 = arith.constant 0 : i32
    return %arg0, %c0_i32 : i32, i32
  }
}

module attributes {stable_mosaic.version = 14 : i64} {
  func.func @_finish_body(%arg0: i32, %arg1: memref<1000x128xf32, #tpu.memory_space<vmem>>, %arg2: memref<1000x128xf32, #tpu.memory_space<vmem>>, %arg3: memref<1000x128xf32, #tpu.memory_space<vmem>>, %arg4: memref<1000x128xf32, #tpu.memory_space<vmem>>, %arg5: memref<1000x128xf32, #tpu.memory_space<vmem>>, %arg6: memref<1000x128xf32, #tpu.memory_space<vmem>>, %arg7: memref<128x128xf32, #tpu.memory_space<vmem>>, %arg8: memref<1x128xf32, #tpu.memory_space<vmem>>, %arg9: memref<1000x128xf32, #tpu.memory_space<vmem>>) attributes {dimension_semantics = [#tpu.dimension_semantics<arbitrary>], iteration_bounds = array<i64: 10>, scalar_prefetch = 0 : i64, scratch_operands = 0 : i64, tpu.core_type = #tpu.core_type<tc>, window_params = [{transform_indices = @transform_0, window_bounds = array<i64: 1000, 128>}, {transform_indices = @transform_1, window_bounds = array<i64: 1000, 128>}, {transform_indices = @transform_2, window_bounds = array<i64: 1000, 128>}, {transform_indices = @transform_3, window_bounds = array<i64: 1000, 128>}, {transform_indices = @transform_4, window_bounds = array<i64: 1000, 128>}, {transform_indices = @transform_5, window_bounds = array<i64: 1000, 128>}, {pipeline_mode = #tpu.pipeline_mode<synchronous>, transform_indices = @transform_6, window_bounds = array<i64: 128, 128>}, {pipeline_mode = #tpu.pipeline_mode<synchronous>, transform_indices = @transform_7, window_bounds = array<i64: 1, 128>}, {transform_indices = @transform_8, window_bounds = array<i64: 1000, 128>}]} {
    %get3A = arith.constant 0 : index
    %get3A_0 = arith.constant 0 : index
    %get3A_1 = vector.load %arg7[%get3A, %get3A_0] : memref<128x128xf32, #tpu.memory_space<vmem>>, vector<128x128xf32>
    %get3A_2 = arith.constant 0 : index
    %get3A_3 = arith.constant 0 : index
    %get3A_4 = vector.load %arg7[%get3A_2, %get3A_3] : memref<128x128xf32, #tpu.memory_space<vmem>>, vector<128x128xf32>
    %dot_general3A = arith.constant dense<0.000000e+00> : vector<128x128xf32>
    %dot_general3A_5 = tpu.matmul %get3A_1, %get3A_4, %dot_general3A {dimension_numbers = #tpu.dot_dimension_numbers<[0], [0], [1], [1], [0, 1, 1, 1], [], []>, transpose_lhs_hint = false} : vector<128x128xf32>, vector<128x128xf32>, vector<128x128xf32> -> vector<128x128xf32>
    %mul3A = arith.mulf %dot_general3A_5, %dot_general3A_5 : vector<128x128xf32>
    %reduce_sum3A = vector.shape_cast %mul3A : vector<128x128xf32> to vector<1x128x128xf32>
    %reduce_sum3A_6 = arith.constant dense<0.000000e+00> : vector<1xf32>
    %reduce_sum3A_7 = vector.multi_reduction <add>, %reduce_sum3A, %reduce_sum3A_6 [1, 2] : vector<1x128x128xf32> to vector<1xf32>
    %reduce_sum3A_8 = vector.shape_cast %reduce_sum3A_7 : vector<1xf32> to vector<1x1x1xf32>
    %reduce_sum3A_9 = vector.extract %reduce_sum3A_8[0, 0, 0] : f32 from vector<1x1x1xf32>
    %sqrt3A = math.sqrt %reduce_sum3A_9 : f32
    %add3A = arith.constant 9.99999974E-6 : f32
    %add3A_10 = arith.addf %sqrt3A, %add3A : f32
    %div3A = vector.broadcast %add3A_10 : f32 to vector<128x128xf32>
    %div3A_11 = arith.divf %dot_general3A_5, %div3A : vector<128x128xf32>
    %get3A_12 = arith.constant 0 : index
    %get3A_13 = arith.constant 0 : index
    %get3A_14 = vector.load %arg5[%get3A_12, %get3A_13] : memref<1000x128xf32, #tpu.memory_space<vmem>>, vector<1000x128xf32>
    %get3A_15 = arith.constant 0 : index
    %get3A_16 = arith.constant 0 : index
    %get3A_17 = vector.load %arg6[%get3A_15, %get3A_16] : memref<1000x128xf32, #tpu.memory_space<vmem>>, vector<1000x128xf32>
    %add3A_18 = arith.addf %get3A_14, %get3A_17 : vector<1000x128xf32>
    %add3A_19 = arith.constant 1.000000e+00 : f32
    %add3A_20 = vector.broadcast %add3A_19 : f32 to vector<1000x128xf32>
    %add3A_21 = arith.addf %add3A_18, %add3A_20 : vector<1000x128xf32>
    %rsqrt3A = math.rsqrt %add3A_21 : vector<1000x128xf32>
    %get3A_22 = arith.constant 0 : index
    %get3A_23 = arith.constant 0 : index
    %get3A_24 = vector.load %arg2[%get3A_22, %get3A_23] : memref<1000x128xf32, #tpu.memory_space<vmem>>, vector<1000x128xf32>
    %get3A_25 = arith.constant 0 : index
    %get3A_26 = arith.constant 0 : index
    %get3A_27 = vector.load %arg4[%get3A_25, %get3A_26] : memref<1000x128xf32, #tpu.memory_space<vmem>>, vector<1000x128xf32>
    %add3A_28 = arith.addf %get3A_24, %get3A_27 : vector<1000x128xf32>
    %mul3A_29 = arith.mulf %rsqrt3A, %add3A_28 : vector<1000x128xf32>
    %get3A_30 = arith.constant 0 : index
    %get3A_31 = arith.constant 0 : index
    %get3A_32 = vector.load %arg1[%get3A_30, %get3A_31] : memref<1000x128xf32, #tpu.memory_space<vmem>>, vector<1000x128xf32>
    %get3A_33 = arith.constant 0 : index
    %get3A_34 = arith.constant 0 : index
    %get3A_35 = vector.load %arg3[%get3A_33, %get3A_34] : memref<1000x128xf32, #tpu.memory_space<vmem>>, vector<1000x128xf32>
    %add3A_36 = arith.addf %get3A_32, %get3A_35 : vector<1000x128xf32>
    %mul3A_37 = arith.mulf %rsqrt3A, %add3A_36 : vector<1000x128xf32>
    %get3A_38 = arith.constant 0 : index
    %get3A_39 = arith.constant 0 : index
    %get3A_40 = vector.load %arg8[%get3A_38, %get3A_39] : memref<1x128xf32, #tpu.memory_space<vmem>>, vector<1x128xf32>
    %add3A_41 = vector.broadcast %get3A_40 : vector<1x128xf32> to vector<1000x128xf32>
    %add3A_42 = arith.addf %mul3A_37, %add3A_41 : vector<1000x128xf32>
    %max3A = arith.constant 0.000000e+00 : f32
    %max3A_43 = vector.broadcast %max3A : f32 to vector<1000x128xf32>
    %max3A_44 = arith.maximumf %add3A_42, %max3A_43 : vector<1000x128xf32>
    %dot_general3A_45 = arith.constant dense<0.000000e+00> : vector<1000x128xf32>
    %dot_general3A_46 = tpu.matmul %mul3A_29, %div3A_11, %dot_general3A_45 {dimension_numbers = #tpu.dot_dimension_numbers<[1], [0], [0], [1], [0, 0, 1, 1], [], []>, transpose_lhs_hint = false} : vector<1000x128xf32>, vector<128x128xf32>, vector<1000x128xf32> -> vector<1000x128xf32>
    %mul3A_47 = arith.constant 0.949999988 : f32
    %mul3A_48 = vector.broadcast %mul3A_47 : f32 to vector<1000x128xf32>
    %mul3A_49 = arith.mulf %mul3A_48, %dot_general3A_46 : vector<1000x128xf32>
    %add3A_50 = arith.addf %mul3A_49, %max3A_44 : vector<1000x128xf32>
    %swap3A = arith.constant 0 : index
    %swap3A_51 = arith.constant 0 : index
    %swap3A_52 = vector.load %arg9[%swap3A, %swap3A_51] : memref<1000x128xf32, #tpu.memory_space<vmem>>, vector<1000x128xf32>
    tpu.vector_store %arg9[%swap3A, %swap3A_51], %add3A_50 {strides = array<i32>} : memref<1000x128xf32, #tpu.memory_space<vmem>>, vector<1000x128xf32>,
    return
  }
  func.func @transform_0(%arg0: i32) -> (i32, i32) {
    %c0_i32 = arith.constant 0 : i32
    %c0_i32_0 = arith.constant 0 : i32
    return %arg0, %c0_i32 : i32, i32
  }
  func.func @transform_1(%arg0: i32) -> (i32, i32) {
    %c0_i32 = arith.constant 0 : i32
    %c0_i32_0 = arith.constant 0 : i32
    return %arg0, %c0_i32 : i32, i32
  }
  func.func @transform_2(%arg0: i32) -> (i32, i32) {
    %c0_i32 = arith.constant 0 : i32
    %c0_i32_0 = arith.constant 0 : i32
    return %arg0, %c0_i32 : i32, i32
  }
  func.func @transform_3(%arg0: i32) -> (i32, i32) {
    %c0_i32 = arith.constant 0 : i32
    %c0_i32_0 = arith.constant 0 : i32
    return %arg0, %c0_i32 : i32, i32
  }
  func.func @transform_4(%arg0: i32) -> (i32, i32) {
    %c0_i32 = arith.constant 0 : i32
    %c0_i32_0 = arith.constant 0 : i32
    return %arg0, %c0_i32 : i32, i32
  }
  func.func @transform_5(%arg0: i32) -> (i32, i32) {
    %c0_i32 = arith.constant 0 : i32
    %c0_i32_0 = arith.constant 0 : i32
    return %arg0, %c0_i32 : i32, i32
  }
  func.func @transform_6(%arg0: i32) -> (i32, i32) {
    %c0_i32 = arith.constant 0 : i32
    %c0_i32_0 = arith.constant 0 : i32
    %c0_i32_1 = arith.constant 0 : i32
    return %c0_i32, %c0_i32_0 : i32, i32
  }
  func.func @transform_7(%arg0: i32) -> (i32, i32) {
    %c0_i32 = arith.constant 0 : i32
    %c0_i32_0 = arith.constant 0 : i32
    %c0_i32_1 = arith.constant 0 : i32
    return %c0_i32, %c0_i32_0 : i32, i32
  }
  func.func @transform_8(%arg0: i32) -> (i32, i32) {
    %c0_i32 = arith.constant 0 : i32
    %c0_i32_0 = arith.constant 0 : i32
    return %arg0, %c0_i32 : i32, i32
  }
}

</mosaic_0001>

<sc_bundles>
// kernel: kernel.6.cloned.1.call-start
scs
__scs_entry_jumppad:
0x0: {  	(pc) =	sbr.rel $0x88, $3  }
0x1: {  	(tag) =	ssettag $0x0;
	lr =	simm.s32 $0x1  }
0x2: {  	[smem:$0x3F9B] =	sst lr;
	_ =	strace $0xD0000000  }
0x3: {  	_ = 	snop  }
0x4: {  	_ = 	snop  }
0x5: {  	_ = 	snop  }
0x6: {  	_ = 	snop  }
0x7: {  	_ = 	snop  }
__scs_overlays_trampoline_lowered:
0x8: {  	[smem:$0x3FAA] =	sst s0  }
0x9: {  	[smem:$0x3FAB] =	sst s1  }
0xa: {  	[smem:$0x3FAC] =	sst s2  }
0xb: {  	[smem:$0x3FAD] =	sst s3  }
0xc: {  	[smem:$0x3FAE] =	sst s4  }
0xd: {  	[smem:$0x3FAF] =	sst s5  }
0xe: {  	[smem:$0x3FB0] =	sst s6  }
0xf: {  	[smem:$0x3FB1] =	sst s7  }
0x10: {  	[smem:$0x3FB2] =	sst s8  }
0x11: {  	[smem:$0x3FB3] =	sst s9;
	s0 =	simm.s32 @!p0 $0x0  }
0x12: {  	s1 =	sld [smem:$0x3F99];
	s0 =	simm.s32 @p0 $0x1  }
0x13: {  	[smem:$0x3FB4] =	sst s0;
	s0 =	simm.s32 @!p1 $0x0  }
0x14: {  	s2 =	sld [smem:$0x3F98];
	s0 =	simm.s32 @p1 $0x1  }
0x15: {  	[smem:$0x3FB5] =	sst s0;
	s0 =	simm.s32 @!p2 $0x0  }
0x16: {  	s3 =	sld [smem:$0x3FDB];
	s0 =	simm.s32 @p2 $0x1  }
0x17: {  	s4 =	simm.s32 $0x1BF5;
	[smem:$0x3FB7] =	sst s0  }
0x18: {  	s0 =	sld [smem:$0x3F9A];
	_ =	swait.ge [sflag:s4], $0x0  }
0x19: {  	s7 =	sld [smem:$0x3F9B]  }
0x1a: {  	s8 =	sadd.s32 $0xFFFFE003, lr  }
0x1b: {  	s9 =	sadd.s32 $0xFFFFFEF7, lr;
	s5 =	simm.s32 $0xFFFFFFFF;
	p2 =	slt.u32 s8, $0xFFFFF086  }
0x1c: {  	p1 =	slt.u32 s9, $0xF7A;
	s5 =	simm.s32 @!p2 $0x0  }
0x1d: {  	s5 =	simm.s32 @p1 $0x1;
	p0 =	seq.s32 s7, s2  }
0x1e: {  	s7 =	smul.u32 @!p0 $0xF7A, s2;
	p2 =	seq.s32 @!p0 s5, $0x0  }
0x1f: {  	s9 =	smul.u32 $0xF7A, s1;
	s8 =	simm.s32 @!p0 $0x1BF5;
	p2 =	por !p2, p0  }
0x20: {  	[sflag:s8] =	ssyncset.s32 @!p0 $0xFFFFF086;
	s6 =	sadd.s32 @!p0 s3, s7;
	s7 =	simm.s32 @!p0 $0x108  }
0x21: {  	s3 =	sadd.s32 s3, s9;
	s6 =	sadd.s32 @!p0 $0x88, s6;
	s7 =	simm.s32 @p2 $0x1082  }
0x22: {  	[simem:s7], [sflag:s8] =	dma.local @!p0 [hbm:s6], $0xF7A  }
0x23: {  	s9 =	sor.u32 $0xD0000000, s2;
	s6 =	simm.s32 $0x108;
	_ =	swait.ge @!p0 [sflag:s8], $0x0  }
0x24: {  	s3 =	sadd.s32 $0x88, s3;
	s6 =	simm.s32 @!p1 $0x1082;
	[sflag:s4] =	ssyncset.s32 $0xFFFFF086  }
0x25: {  	[simem:s6], [sflag:s4] =	dma.local [hbm:s3], $0xF7A  }
0x26: {  	[smem:$0x3F9B] =	sst s1;
	(tag) =	ssettag s2;
	_ =	strace s9  }
0x27: {  	s1 =	sld [smem:$0x3FAB]  }
0x28: {  	s2 =	sld [smem:$0x3FAC]  }
0x29: {  	s4 =	sld [smem:$0x3FAE]  }
0x2a: {  	p0 =	seq.s32 s5, $0x0;
	s5 =	sld [smem:$0x3FAF]  }
0x2b: {  	s6 =	sld [smem:$0x3FB0]  }
0x2c: {  	s7 =	sld [smem:$0x3FB1]  }
0x2d: {  	s3 =	simm.s32 $0x108;
	s8 =	sld [smem:$0x3FB2]  }
0x2e: {  	s3 =	simm.s32 @!p0 $0x1082;
	s9 =	sld [smem:$0x3FB3]  }
0x2f: {  	lr =	sadd.s32 s0, s3;
	s0 =	sld [smem:$0x3FAA]  }
0x30: {  	s3 =	sld [smem:$0x3FAD]  }
0x31: {  	[smem:$0x3FB6] =	sst s10  }
0x32: {  	s10 =	sld [smem:$0x3FB4];
	_ =	sdelay $0x3  }
0x33: {  	p0 =	seq.s32 s10, $0x1;
	s10 =	sld [smem:$0x3FB6];
	_ =	sdelay $0x3  }
0x34: {  	[smem:$0x3FB6] =	sst s10  }
0x35: {  	s10 =	sld [smem:$0x3FB5];
	_ =	sdelay $0x3  }
0x36: {  	p1 =	seq.s32 s10, $0x1;
	s10 =	sld [smem:$0x3FB6];
	_ =	sdelay $0x3  }
0x37: {  	[smem:$0x3FB6] =	sst s10  }
0x38: {  	s10 =	sld [smem:$0x3FB7]  }
0x39: {  	_ = 	snop;
	(pc) =	sbr.ind lr, $3  }
0x3a: {  	_ = 	snop  }
0x3b: {  	_ = 	snop  }
0x3c: {  	p2 =	seq.s32 s10, $0x1;
	s10 =	sld [smem:$0x3FB6]  }
0x3d: {  	_ =	shalt  }
0x3e: {  	_ =	shalt  }
0x3f: {  	_ =	shalt  }
0x40: {  	_ =	shalt  }
0x41: {  	_ =	shalt  }
0x42: {  	_ =	shalt  }
0x43: {  	_ =	shalt  }
0x44: {  	_ =	shalt  }
0x45: {  	_ =	shalt  }
0x46: {  	_ =	shalt  }
0x47: {  	_ =	shalt  }
0x48: {  	_ =	shalt  }
0x49: {  	_ =	shalt  }
0x4a: {  	_ =	shalt  }
0x4b: {  	_ =	shalt  }
0x4c: {  	_ =	shalt  }
0x4d: {  	_ =	shalt  }
0x4e: {  	_ =	shalt  }
0x4f: {  	_ =	shalt  }
0x50: {  	_ =	shalt  }
0x51: {  	_ =	shalt  }
0x52: {  	_ =	shalt  }
0x53: {  	_ =	shalt  }
0x54: {  	_ =	shalt  }
0x55: {  	_ =	shalt  }
0x56: {  	_ =	shalt  }
0x57: {  	_ =	shalt  }
0x58: {  	_ =	shalt  }
0x59: {  	_ =	shalt  }
0x5a: {  	_ =	shalt  }
0x5b: {  	_ =	shalt  }
0x5c: {  	_ =	shalt  }
0x5d: {  	_ =	shalt  }
0x5e: {  	_ =	shalt  }
0x5f: {  	_ =	shalt  }
0x60: {  	_ =	shalt  }
0x61: {  	_ =	shalt  }
0x62: {  	_ =	shalt  }
0x63: {  	_ =	shalt  }
0x64: {  	_ =	shalt  }
0x65: {  	_ =	shalt  }
0x66: {  	_ =	shalt  }
0x67: {  	_ =	shalt  }
0x68: {  	_ =	shalt  }
0x69: {  	_ =	shalt  }
0x6a: {  	_ =	shalt  }
0x6b: {  	_ =	shalt  }
0x6c: {  	_ =	shalt  }
0x6d: {  	_ =	shalt  }
0x6e: {  	_ =	shalt  }
0x6f: {  	_ =	shalt  }
0x70: {  	_ =	shalt  }
0x71: {  	_ =	shalt  }
0x72: {  	_ =	shalt  }
0x73: {  	_ =	shalt  }
0x74: {  	_ =	shalt  }
0x75: {  	_ =	shalt  }
0x76: {  	_ =	shalt  }
0x77: {  	_ =	shalt  }
0x78: {  	_ =	shalt  }
0x79: {  	_ =	shalt  }
0x7a: {  	_ =	shalt  }
0x7b: {  	_ =	shalt  }
0x7c: {  	_ =	shalt  }
0x7d: {  	_ =	shalt  }
0x7e: {  	_ =	shalt  }
0x7f: {  	_ =	shalt  }
0x80: {  	_ =	shalt  }
0x81: {  	_ =	shalt  }
0x82: {  	_ =	shalt  }
0x83: {  	_ =	shalt  }
0x84: {  	_ =	shalt  }
0x85: {  	_ =	shalt  }
0x86: {  	_ =	shalt  }
0x87: {  	_ =	shalt  }
.Lfunc_end0:
.L_simem_size_0:
called_computation_lowered:
.L_overlay_start_0:
0x88: {  	s2 =	sld [smem:$0x3FD9]  }
0x89: {  	s3 =	sld [smem:$0x3FFE];
	_ =	sdelay $0x1  }
0x8a: {  	s1 =	srdreg.scid  }
0x8b: {  	s0 =	sand.u32 $0x1, s1  }
0x8c: {  	s17 =	sshll.u32 s0, $0xA;
	s2 =	sadd.s32 s3, s2  }
0x8d: {  	s2 =	sadd.s32 s2, s17  }
0x8e: {  	[smem:$0x3FC2] =	sst s2  }
0x8f: {  	_ = 	snop  }
0x90: {  	s2 =	sld [smem:$0x3FD0];
	(tm) =	ssettm $0x1  }
0x91: {  	s18 =	sld [smem:$0x3FFB];
	_ =	sdelay $0x3  }
0x92: {  	_ =	strace s18  }
0x93: {  	s3 =	sld [smem:$0x3FFC];
	_ =	sdelay $0x3  }
0x94: {  	_ =	strace s3  }
0x95: {  	s3 =	sld [smem:$0x3FFD];
	_ =	sdelay $0x3  }
0x96: {  	_ =	strace s3  }
0x97: {  	_ =	strace $0x8FFFFFFF  }
0x98: {  	s19 =	sld [smem:$0x3FDB];
	_ =	sdelay $0x1  }
0x99: {  	s4 =	simm.s32 $_scs_section_size  }
0x9a: {  	s5 =	simm.s32 $_size__tile_overlayer_lowered;
	s6 =	simm.s32 $_tile_overlayer_lowered  }
0x9b: {  	s22 =	simm.s32 $0x1BFF;
	s21 =	sshll.u32 s6, $0x1;
	s3 =	sadd.s32 s4, s19  }
0x9c: {  	s7 =	simm.s32 $0x0;
	s20 =	sshll.u32 s5, $0x1;
	s5 =	sadd.s32 s21, s3  }
0x9d: {  	[timem:s7], [sflag:s22] =	dma.local [hbm:s5], s20  }
0x9e: {  	_ =	swait.ge [sflag:s22], s20  }
0x9f: {  	s4 =	ssub.s32 $0x0, s20;
	[sflag:s22] =	ssyncset.done $0x0  }
0xa0: {  	[sflag:s22] =	ssyncadd.s32 s4;
	_ =	sdelay $0x1  }
0xa1: {  	s23 =	simm.s32 $0x1B8B  }
0xa2: {  	_ =	swait.ge [sflag:s23], $0x1  }
0xa3: {  	[sflag:s23] =	ssyncset.done $0x0  }
0xa4: {  	s25 =	simm.s32 $0x1B8E;
	s24 =	sld [smem:$0x3FFE];
	[sflag:s23] =	ssyncadd.s32 $0xFFFFFFFF  }
0xa5: {  	s26 =	simm.s32 $execute0_lowered;
	[smem:$0x3FD2] =	sst s25  }
0xa6: {  	s5 =	sshll.u32 s26, $0x1;
	_ =	strace $0x80000046;
	[dreg:$0x1] =	wrdreg $0xFFFFFFFF  }
0xa7: {  	s28 =	simm.s32 $_size_execute0_lowered;
	s3 =	sadd.s32 s3, s5;
	[dreg:$0x0] =	wrdreg $0x0  }
0xa8: {  	s5 =	sshll.u32 s28, $0x1;
	[dreg:$0x2] =	wrdreg s3  }
0xa9: {  	[dreg:$0x3] =	wrdreg s5  }
0xaa: {  	[dreg:$0x4] =	wrdreg $0xC0  }
0xab: {  	_ =	task [dreg:s7], $0x5FFFF  }
0xac: {  	[dreg:$0x1] =	wrdreg $0xFFFFFFFF  }
0xad: {  	[dreg:$0x0] =	wrdreg $0x60  }
0xae: {  	[dreg:$0x2] =	wrdreg s24  }
0xaf: {  	[dreg:$0x3] =	wrdreg s2  }
0xb0: {  	[dreg:$0x4] =	wrdreg $0x68000  }
0xb1: {  	[dreg:$0x5] =	wrdreg $0x9  }
0xb2: {  	_ =	task.clear_ibuf [dreg:s7], $0x6FFFF;
	_ =	strace $0x90000046  }
0xb3: {  	s29 =	simm.s32 $0x9;
	_ =	strace $0x80000048  }
0xb4: {  	_ =	swait.ge [sflag:s29], $0x1  }
0xb5: {  	[sflag:s29] =	ssyncadd.s32 $0xFFFFFFFF  }
0xb6: {  	_ =	strace $0x90000048  }
0xb7: {  	_ =	sfence  }
0xb8: {  	s30 =	sld [smem:$0x0];
	_ =	sdelay $0x2  }
0xb9: {  	s31 =	sshll.u32 s1, $0xD;
	s1 =	sshrl.u32 s1, $0x2  }
0xba: {  	s3 =	sand.u32 $0x4000, s31;
	s1 =	sadd.s32 s1, s30  }
0xbb: {  	s0 =	sor.u32 s3, s0;
	s1 =	sshll.u32 s1, $0x11  }
0xbc: {  	s0 =	sor.u32 s1, s0  }
0xbd: {  	s0 =	sadd.s32 $0x8F2B, s0  }
0xbe: {  	[sflag:s0] =	ssyncadd.remote.s32 $0x1  }
0xbf: {  	_ =	sfence.sel $0xFFFF  }
0xc0: {  	[dreg:$0x0] =	wrdreg $0xFFFFFFFF;
	(pc) =	sbr.abs _section_cstart, $3  }
0xc1: {  	[dreg:$0x1] =	wrdreg $0xFFFFFFFF  }
0xc2: {  	_ =	task.clear_ibuf [dreg:s7], $0x2FFFF;
	_ =	strace $0x9FFFFFFF  }
0xc3: {  	(tm) =	ssettm $0x7FFFFFFF  }
tec
execute0_lowered:
.L_overlay_start_1:
0x0: {  	(tag) =	ssettag $0x1  }
0x1: {  	s6 =	rddreg [dreg:$0x0]  }
0x2: {  	s2 =	rddreg [dreg:$0x1]  }
0x3: {  	s0 =	srdreg.scid;
	s3 =	rddreg [dreg:$0x2]  }
0x4: {  	s4 =	simm.s32 $0x0;
	s13 =	simm.s32 $0x80;
	s14 =	simm.s32 $0x1  }
0x5: {  	s15 =	simm.s32 $0x2;
	s16 =	simm.s32 $0x3;
	s5 =	sand.u32 $0x1, s0  }
0x6: {  	s17 =	simm.s32 $0x4;
	s0 =	stileid.u32;
	s8 =	smul.u32 $0x140000, s5  }
0x7: {  	s18 =	simm.s32 $0x0;
	[smem:$0x7FF] =	sst s4;
	s9 =	smul.u32 $0x14000, s0  }
0x8: {  	s1 =	sshll.u32 s5, $0x4;
	s30 =	ssub.s32 $0x2, s5;
	s10 =	smul.u32 $0x50000, s0  }
0x9: {  	s5 =	sadd.s32 $0xD200, s6;
	s31 =	sshll.u32 s0, $0x6;
	s1 =	sor.u32 s0, s1  }
0xa: {  	s11 =	sshrl.u32 s30, $0x1;
	s7 =	smul.u32 $0x500, s1;
	s1 =	rddreg [dreg:$0x3]  }
0xb: {  	_ =	strace $0x80000047;
	s8 =	sadd.s32 s9, s8;
	s9 =	ssub.s32 s30, s11  }
0xc: {  	s10 =	sshrl.u32 s10, $0x2;
	s11 =	sor.u32 $0x1C05, s31;
	s8 =	sshrl.u32 s8, $0x3  }
0xd: {  	s12 =	sadd.s32 s10, s3;
	s10 =	simm.s32 $0x5;
	s7 =	sadd.s32 s7, s6  }
0xe: {  	s8 =	sadd.s32 s8, s6;
	s12 =	sshrl.u32 s12, $0x3;
	s6 =	sadd.s32 $0x3200, s7  }
0xf: {  	s7 =	sadd.s32 $0xFA00, s8;
	s8 =	smax.u32 s9, $0x1;
	s9 =	simm.s32 $0x2800  }
.LBB2_1:
0x10: {  	[tilespmem:s9], [sflag:$0x5] =	stream.linear.gather [hbm4b:s2+s4], $0x4000, $0x38;
	[tilespmem:$0x1A800] =	vst v63  }
0x11: {  	_ =	swait.ge [sflag:s10], $0x4000  }
0x12: {  	[sflag:s10] =	ssyncset.done $0x0  }
0x13: {  	[sflag:s10] =	ssyncadd.s32 $0xFFFFC000  }
0x14: {  	[tilespmem:s4], [sflag:$0x5] =	stream.linear.gather [hbm4b:s6+s4], $0x2800, $0x38;
	[tilespmem:$0x1A800] =	vst v63  }
0x15: {  	_ =	swait.ge [sflag:s10], $0x2800  }
0x16: {  	[sflag:s10] =	ssyncset.done $0x0  }
0x17: {  	[sflag:s10] =	ssyncadd.s32 $0xFFFFD800  }
0x18: {  	[spmem:s12], [sflag:s11] =	dma.local [hbm:s5], $0x2800  }
0x19: {  	_ =	swait.ge [sflag:s10], $0x2800  }
0x1a: {  	[sflag:s10] =	ssyncset.done $0x0  }
0x1b: {  	[sflag:s10] =	ssyncadd.s32 $0xFFFFD800  }
0x1c: {  	s19 =	simm.s32 $0x0;
	[bflag:$0x0] =	sbarrier.arrive $0xFFFF  }
0x1d: {  	[spmem:s3] =	stream.indirect.scatter.add.f32 [tilespmem:s9], [sflag:$0x1], $0x80, s19, s13, $0xb8;
	[tilespmem:$0x1A800] =	vst v63  }
0x1e: {  	s29 =	simm.s32 $0x80  }
0x1f: {  	[spmem:s3] =	stream.indirect.scatter.add.f32 [tilespmem:s9], [sflag:$0x2], $0x80, s29, s13, $0xb8;
	[tilespmem:$0x1A800] =	vst v63  }
0x20: {  	s30 =	simm.s32 $0x100  }
0x21: {  	[spmem:s3] =	stream.indirect.scatter.add.f32 [tilespmem:s9], [sflag:$0x3], $0x80, s30, s13, $0xb8;
	[tilespmem:$0x1A800] =	vst v63  }
0x22: {  	s31 =	simm.s32 $0x180  }
0x23: {  	[spmem:s3] =	stream.indirect.scatter.add.f32 [tilespmem:s9], [sflag:$0x4], $0x80, s31, s13, $0xb8;
	[tilespmem:$0x1A800] =	vst v63  }
0x24: {  	_ =	swait.ge [sflag:s14], $0x4000  }
0x25: {  	[sflag:s14] =	ssyncset.done $0x0  }
0x26: {  	[sflag:s14] =	ssyncadd.s32 $0xFFFFC000  }
0x27: {  	_ =	swait.ge [sflag:s15], $0x4000  }
0x28: {  	[sflag:s15] =	ssyncset.done $0x0  }
0x29: {  	[sflag:s15] =	ssyncadd.s32 $0xFFFFC000  }
0x2a: {  	_ =	swait.ge [sflag:s16], $0x4000  }
0x2b: {  	[sflag:s16] =	ssyncset.done $0x0  }
0x2c: {  	[sflag:s16] =	ssyncadd.s32 $0xFFFFC000  }
0x2d: {  	_ =	swait.ge [sflag:s17], $0x4000  }
0x2e: {  	s20 =	simm.s32 $0x1000;
	s19 =	simm.s32 $0x800;
	[sflag:s17] =	ssyncset.done $0x0  }
.LBB2_2:
0x2f: {  	s21 =	sshra.s32 s19, $0x2  }
0x30: {  	[sflag:s17] =	ssyncadd.s32 $0xFFFFC000;
	s19 =	smov.u32 s20;
	s22 =	sadd.s32 $0x800, s20  }
0x31: {  	[spmem:s3] =	stream.indirect.scatter.add.f32 [tilespmem:s9], [sflag:$0x1], $0x80, s21, s13, $0xb8;
	[tilespmem:$0x1A800] =	vst v63  }
0x32: {  	p0 =	sne.s32 s20, $0x9800;
	s20 =	sadd.s32 $0x80, s21  }
0x33: {  	[spmem:s3] =	stream.indirect.scatter.add.f32 [tilespmem:s9], [sflag:$0x2], $0x80, s20, s13, $0xb8;
	[tilespmem:$0x1A800] =	vst v63  }
0x34: {  	s20 =	sadd.s32 $0x100, s21  }
0x35: {  	[spmem:s3] =	stream.indirect.scatter.add.f32 [tilespmem:s9], [sflag:$0x3], $0x80, s20, s13, $0xb8;
	[tilespmem:$0x1A800] =	vst v63  }
0x36: {  	s20 =	sadd.s32 $0x180, s21  }
0x37: {  	[spmem:s3] =	stream.indirect.scatter.add.f32 [tilespmem:s9], [sflag:$0x4], $0x80, s20, s13, $0xb8;
	[tilespmem:$0x1A800] =	vst v63  }
0x38: {  	_ =	swait.ge [sflag:s14], $0x4000  }
0x39: {  	[sflag:s14] =	ssyncset.done $0x0  }
0x3a: {  	[sflag:s14] =	ssyncadd.s32 $0xFFFFC000  }
0x3b: {  	_ =	swait.ge [sflag:s15], $0x4000  }
0x3c: {  	[sflag:s15] =	ssyncset.done $0x0  }
0x3d: {  	[sflag:s15] =	ssyncadd.s32 $0xFFFFC000  }
.Ltmp0:
0x3e: {  	_ =	swait.ge [sflag:s16], $0x4000;
	(pc) =	sbr.rel @p0 .LBB2_2-.Ltmp0, $4  }
0x3f: {  	[sflag:s16] =	ssyncset.done $0x0  }
0x40: {  	[sflag:s16] =	ssyncadd.s32 $0xFFFFC000  }
0x41: {  	_ =	swait.ge [sflag:s17], $0x4000  }
0x42: {  	s20 =	smov.u32 s22;
	[sflag:s17] =	ssyncset.done $0x0  }
0x43: {  	s19 =	sshra.s32 s19, $0x2;
	[sflag:s17] =	ssyncadd.s32 $0xFFFFC000  }
0x44: {  	[spmem:s3] =	stream.indirect.scatter.add.f32 [tilespmem:s9], [sflag:$0x1], $0x80, s19, s13, $0xb8;
	[tilespmem:$0x1A800] =	vst v63  }
0x45: {  	s20 =	sadd.s32 $0x80, s19  }
0x46: {  	[spmem:s3] =	stream.indirect.scatter.add.f32 [tilespmem:s9], [sflag:$0x2], $0x80, s20, s13, $0xb8;
	[tilespmem:$0x1A800] =	vst v63  }
0x47: {  	s31 =	sadd.s32 $0x100, s19  }
0x48: {  	[spmem:s3] =	stream.indirect.scatter.add.f32 [tilespmem:s9], [sflag:$0x3], $0x80, s31, s13, $0xb8;
	[tilespmem:$0x1A800] =	vst v63  }
0x49: {  	s19 =	sadd.s32 $0x180, s19  }
0x4a: {  	[spmem:s3] =	stream.indirect.scatter.add.f32 [tilespmem:s9], [sflag:$0x4], $0x80, s19, s13, $0xb8;
	[tilespmem:$0x1A800] =	vst v63  }
0x4b: {  	_ =	swait.ge [sflag:s14], $0x4000  }
0x4c: {  	[sflag:s14] =	ssyncset.done $0x0  }
0x4d: {  	[sflag:s14] =	ssyncadd.s32 $0xFFFFC000  }
0x4e: {  	_ =	swait.ge [sflag:s15], $0x4000  }
0x4f: {  	[sflag:s15] =	ssyncset.done $0x0  }
0x50: {  	[sflag:s15] =	ssyncadd.s32 $0xFFFFC000  }
0x51: {  	_ =	swait.ge [sflag:s16], $0x4000  }
0x52: {  	[sflag:s16] =	ssyncset.done $0x0  }
0x53: {  	[sflag:s16] =	ssyncadd.s32 $0xFFFFC000  }
0x54: {  	_ =	swait.ge [sflag:s17], $0x4000  }
0x55: {  	s18 =	sadd.s32 $0x1, s18;
	[sflag:s17] =	ssyncset.done $0x0  }
0x56: {  	p0 =	sne.s32 s18, s8;
	[sflag:s17] =	ssyncadd.s32 $0xFFFFC000  }
.Ltmp1:
0x57: {  	[bflag:$0x0] =	sbarrier.arrive $0xFFFF;
	(pc) =	sbr.rel @p0 .LBB2_1-.Ltmp1, $4  }
0x58: {  	[hbm:s7], [sflag:s11] =	dma.local [spmem:s12], $0x2800  }
0x59: {  	_ =	swait.ge [sflag:s10], $0x2800  }
0x5a: {  	[sflag:s10] =	ssyncset.done $0x0  }
0x5b: {  	[sflag:s10] =	ssyncadd.s32 $0xFFFFD800  }
0x5c: {  	_ =	sfence.sel $0x180000  }
0x5d: {  	[bflag:$0x0] =	sbarrier.arrive $0xFFFF  }
0x5e: {  	p0 =	sne.s32 s0, $0x0;
	_ =	strace $0x90000047  }
0x5f: {  	s0 =	sadd.s32 @!p0 $0x100000, s1;
	[bflag:$0x2] =	sbarrier.arrive $0xFFFF  }
0x60: {  	[sflag:s0] =	ssyncadd.tile.s32 @!p0 $0x1;
	_ =	shalt  }
.Lfunc_end2:
_tile_overlayer_lowered:
.L_overlay_start_2:
0x61: {  	(tag) =	ssettag $0x2  }
0x62: {  	s0 =	rddreg [dreg:$0x0];
	s2 =	stileid.u32  }
0x63: {  	s1 =	rddreg [dreg:$0x1];
	p0 =	sne.s32 s2, $0x0  }
0x64: {  	s3 =	rddreg [dreg:$0x2];
	[bflag:$0x3] =	sbarrier.arrive $0xFFFF;
	s2 =	simm.s32 @!p0 $0x1C05  }
0x65: {  	[timem:s3], [sflag:s2] =	dma.local @!p0 [hbm:s0], s1  }
0x66: {  	s0 =	simm.s32 @!p0 $0x5  }
0x67: {  	_ =	swait.ge @!p0 [sflag:s0], s1  }
0x68: {  	s1 =	ssub.s32 @!p0 $0x0, s1;
	[sflag:s0] =	ssyncset.done @!p0 $0x0  }
0x69: {  	[sflag:s0] =	ssyncadd.s32 @!p0 s1  }
0x6a: {  	[bflag:$0x3] =	sbarrier.arrive $0xFFFF  }
0x6b: {  	_ =	shalt  }

// kernel: kernel.9.cloned.1.call-start
scs
__scs_entry_jumppad:
0x0: {  	(pc) =	sbr.rel $0x88, $3  }
0x1: {  	(tag) =	ssettag $0x0;
	lr =	simm.s32 $0x1  }
0x2: {  	[smem:$0x3F9B] =	sst lr;
	_ =	strace $0xD0000000  }
0x3: {  	_ = 	snop  }
0x4: {  	_ = 	snop  }
0x5: {  	_ = 	snop  }
0x6: {  	_ = 	snop  }
0x7: {  	_ = 	snop  }
__scs_overlays_trampoline_lowered:
0x8: {  	[smem:$0x3FAA] =	sst s0  }
0x9: {  	[smem:$0x3FAB] =	sst s1  }
0xa: {  	[smem:$0x3FAC] =	sst s2  }
0xb: {  	[smem:$0x3FAD] =	sst s3  }
0xc: {  	[smem:$0x3FAE] =	sst s4  }
0xd: {  	[smem:$0x3FAF] =	sst s5  }
0xe: {  	[smem:$0x3FB0] =	sst s6  }
0xf: {  	[smem:$0x3FB1] =	sst s7  }
0x10: {  	[smem:$0x3FB2] =	sst s8  }
0x11: {  	[smem:$0x3FB3] =	sst s9;
	s0 =	simm.s32 @!p0 $0x0  }
0x12: {  	s1 =	sld [smem:$0x3F99];
	s0 =	simm.s32 @p0 $0x1  }
0x13: {  	[smem:$0x3FB4] =	sst s0;
	s0 =	simm.s32 @!p1 $0x0  }
0x14: {  	s2 =	sld [smem:$0x3F98];
	s0 =	simm.s32 @p1 $0x1  }
0x15: {  	[smem:$0x3FB5] =	sst s0;
	s0 =	simm.s32 @!p2 $0x0  }
0x16: {  	s3 =	sld [smem:$0x3FDB];
	s0 =	simm.s32 @p2 $0x1  }
0x17: {  	s4 =	simm.s32 $0x1BF5;
	[smem:$0x3FB7] =	sst s0  }
0x18: {  	s0 =	sld [smem:$0x3F9A];
	_ =	swait.ge [sflag:s4], $0x0  }
0x19: {  	s7 =	sld [smem:$0x3F9B]  }
0x1a: {  	s8 =	sadd.s32 $0xFFFFE003, lr  }
0x1b: {  	s9 =	sadd.s32 $0xFFFFFEF7, lr;
	s5 =	simm.s32 $0xFFFFFFFF;
	p2 =	slt.u32 s8, $0xFFFFF086  }
0x1c: {  	p1 =	slt.u32 s9, $0xF7A;
	s5 =	simm.s32 @!p2 $0x0  }
0x1d: {  	s5 =	simm.s32 @p1 $0x1;
	p0 =	seq.s32 s7, s2  }
0x1e: {  	s7 =	smul.u32 @!p0 $0xF7A, s2;
	p2 =	seq.s32 @!p0 s5, $0x0  }
0x1f: {  	s9 =	smul.u32 $0xF7A, s1;
	s8 =	simm.s32 @!p0 $0x1BF5;
	p2 =	por !p2, p0  }
0x20: {  	[sflag:s8] =	ssyncset.s32 @!p0 $0xFFFFF086;
	s6 =	sadd.s32 @!p0 s3, s7;
	s7 =	simm.s32 @!p0 $0x108  }
0x21: {  	s3 =	sadd.s32 s3, s9;
	s6 =	sadd.s32 @!p0 $0x88, s6;
	s7 =	simm.s32 @p2 $0x1082  }
0x22: {  	[simem:s7], [sflag:s8] =	dma.local @!p0 [hbm:s6], $0xF7A  }
0x23: {  	s9 =	sor.u32 $0xD0000000, s2;
	s6 =	simm.s32 $0x108;
	_ =	swait.ge @!p0 [sflag:s8], $0x0  }
0x24: {  	s3 =	sadd.s32 $0x88, s3;
	s6 =	simm.s32 @!p1 $0x1082;
	[sflag:s4] =	ssyncset.s32 $0xFFFFF086  }
0x25: {  	[simem:s6], [sflag:s4] =	dma.local [hbm:s3], $0xF7A  }
0x26: {  	[smem:$0x3F9B] =	sst s1;
	(tag) =	ssettag s2;
	_ =	strace s9  }
0x27: {  	s1 =	sld [smem:$0x3FAB]  }
0x28: {  	s2 =	sld [smem:$0x3FAC]  }
0x29: {  	s4 =	sld [smem:$0x3FAE]  }
0x2a: {  	p0 =	seq.s32 s5, $0x0;
	s5 =	sld [smem:$0x3FAF]  }
0x2b: {  	s6 =	sld [smem:$0x3FB0]  }
0x2c: {  	s7 =	sld [smem:$0x3FB1]  }
0x2d: {  	s3 =	simm.s32 $0x108;
	s8 =	sld [smem:$0x3FB2]  }
0x2e: {  	s3 =	simm.s32 @!p0 $0x1082;
	s9 =	sld [smem:$0x3FB3]  }
0x2f: {  	lr =	sadd.s32 s0, s3;
	s0 =	sld [smem:$0x3FAA]  }
0x30: {  	s3 =	sld [smem:$0x3FAD]  }
0x31: {  	[smem:$0x3FB6] =	sst s10  }
0x32: {  	s10 =	sld [smem:$0x3FB4];
	_ =	sdelay $0x3  }
0x33: {  	p0 =	seq.s32 s10, $0x1;
	s10 =	sld [smem:$0x3FB6];
	_ =	sdelay $0x3  }
0x34: {  	[smem:$0x3FB6] =	sst s10  }
0x35: {  	s10 =	sld [smem:$0x3FB5];
	_ =	sdelay $0x3  }
0x36: {  	p1 =	seq.s32 s10, $0x1;
	s10 =	sld [smem:$0x3FB6];
	_ =	sdelay $0x3  }
0x37: {  	[smem:$0x3FB6] =	sst s10  }
0x38: {  	s10 =	sld [smem:$0x3FB7]  }
0x39: {  	_ = 	snop;
	(pc) =	sbr.ind lr, $3  }
0x3a: {  	_ = 	snop  }
0x3b: {  	_ = 	snop  }
0x3c: {  	p2 =	seq.s32 s10, $0x1;
	s10 =	sld [smem:$0x3FB6]  }
0x3d: {  	_ =	shalt  }
0x3e: {  	_ =	shalt  }
0x3f: {  	_ =	shalt  }
0x40: {  	_ =	shalt  }
0x41: {  	_ =	shalt  }
0x42: {  	_ =	shalt  }
0x43: {  	_ =	shalt  }
0x44: {  	_ =	shalt  }
0x45: {  	_ =	shalt  }
0x46: {  	_ =	shalt  }
0x47: {  	_ =	shalt  }
0x48: {  	_ =	shalt  }
0x49: {  	_ =	shalt  }
0x4a: {  	_ =	shalt  }
0x4b: {  	_ =	shalt  }
0x4c: {  	_ =	shalt  }
0x4d: {  	_ =	shalt  }
0x4e: {  	_ =	shalt  }
0x4f: {  	_ =	shalt  }
0x50: {  	_ =	shalt  }
0x51: {  	_ =	shalt  }
0x52: {  	_ =	shalt  }
0x53: {  	_ =	shalt  }
0x54: {  	_ =	shalt  }
0x55: {  	_ =	shalt  }
0x56: {  	_ =	shalt  }
0x57: {  	_ =	shalt  }
0x58: {  	_ =	shalt  }
0x59: {  	_ =	shalt  }
0x5a: {  	_ =	shalt  }
0x5b: {  	_ =	shalt  }
0x5c: {  	_ =	shalt  }
0x5d: {  	_ =	shalt  }
0x5e: {  	_ =	shalt  }
0x5f: {  	_ =	shalt  }
0x60: {  	_ =	shalt  }
0x61: {  	_ =	shalt  }
0x62: {  	_ =	shalt  }
0x63: {  	_ =	shalt  }
0x64: {  	_ =	shalt  }
0x65: {  	_ =	shalt  }
0x66: {  	_ =	shalt  }
0x67: {  	_ =	shalt  }
0x68: {  	_ =	shalt  }
0x69: {  	_ =	shalt  }
0x6a: {  	_ =	shalt  }
0x6b: {  	_ =	shalt  }
0x6c: {  	_ =	shalt  }
0x6d: {  	_ =	shalt  }
0x6e: {  	_ =	shalt  }
0x6f: {  	_ =	shalt  }
0x70: {  	_ =	shalt  }
0x71: {  	_ =	shalt  }
0x72: {  	_ =	shalt  }
0x73: {  	_ =	shalt  }
0x74: {  	_ =	shalt  }
0x75: {  	_ =	shalt  }
0x76: {  	_ =	shalt  }
0x77: {  	_ =	shalt  }
0x78: {  	_ =	shalt  }
0x79: {  	_ =	shalt  }
0x7a: {  	_ =	shalt  }
0x7b: {  	_ =	shalt  }
0x7c: {  	_ =	shalt  }
0x7d: {  	_ =	shalt  }
0x7e: {  	_ =	shalt  }
0x7f: {  	_ =	shalt  }
0x80: {  	_ =	shalt  }
0x81: {  	_ =	shalt  }
0x82: {  	_ =	shalt  }
0x83: {  	_ =	shalt  }
0x84: {  	_ =	shalt  }
0x85: {  	_ =	shalt  }
0x86: {  	_ =	shalt  }
0x87: {  	_ =	shalt  }
.Lfunc_end0:
.L_simem_size_0:
called_computation.1_lowered:
.L_overlay_start_0:
0x88: {  	s2 =	sld [smem:$0x3FD9]  }
0x89: {  	s3 =	sld [smem:$0x3FFE];
	_ =	sdelay $0x1  }
0x8a: {  	s1 =	srdreg.scid  }
0x8b: {  	s0 =	sand.u32 $0x1, s1  }
0x8c: {  	s17 =	sshll.u32 s0, $0xA;
	s2 =	sadd.s32 s3, s2  }
0x8d: {  	s2 =	sadd.s32 s2, s17  }
0x8e: {  	[smem:$0x3FC2] =	sst s2  }
0x8f: {  	_ = 	snop  }
0x90: {  	s2 =	sld [smem:$0x3FD0];
	(tm) =	ssettm $0x1  }
0x91: {  	s18 =	sld [smem:$0x3FFB];
	_ =	sdelay $0x3  }
0x92: {  	_ =	strace s18  }
0x93: {  	s3 =	sld [smem:$0x3FFC];
	_ =	sdelay $0x3  }
0x94: {  	_ =	strace s3  }
0x95: {  	s3 =	sld [smem:$0x3FFD];
	_ =	sdelay $0x3  }
0x96: {  	_ =	strace s3  }
0x97: {  	_ =	strace $0x8FFFFFFF  }
0x98: {  	s19 =	sld [smem:$0x3FDB];
	_ =	sdelay $0x1  }
0x99: {  	s4 =	simm.s32 $_scs_section_size  }
0x9a: {  	s5 =	simm.s32 $_size__tile_overlayer_lowered;
	s6 =	simm.s32 $_tile_overlayer_lowered  }
0x9b: {  	s22 =	simm.s32 $0x1BFF;
	s21 =	sshll.u32 s6, $0x1;
	s3 =	sadd.s32 s4, s19  }
0x9c: {  	s7 =	simm.s32 $0x0;
	s20 =	sshll.u32 s5, $0x1;
	s5 =	sadd.s32 s21, s3  }
0x9d: {  	[timem:s7], [sflag:s22] =	dma.local [hbm:s5], s20  }
0x9e: {  	_ =	swait.ge [sflag:s22], s20  }
0x9f: {  	s4 =	ssub.s32 $0x0, s20;
	[sflag:s22] =	ssyncset.done $0x0  }
0xa0: {  	[sflag:s22] =	ssyncadd.s32 s4;
	_ =	sdelay $0x1  }
0xa1: {  	s23 =	simm.s32 $0x1B8B  }
0xa2: {  	_ =	swait.ge [sflag:s23], $0x1  }
0xa3: {  	[sflag:s23] =	ssyncset.done $0x0  }
0xa4: {  	s25 =	simm.s32 $0x1B8E;
	s24 =	sld [smem:$0x3FFE];
	[sflag:s23] =	ssyncadd.s32 $0xFFFFFFFF  }
0xa5: {  	s26 =	simm.s32 $execute0_lowered;
	[smem:$0x3FD2] =	sst s25  }
0xa6: {  	s5 =	sshll.u32 s26, $0x1;
	_ =	strace $0x80000049;
	[dreg:$0x1] =	wrdreg $0xFFFFFFFF  }
0xa7: {  	s28 =	simm.s32 $_size_execute0_lowered;
	s3 =	sadd.s32 s3, s5;
	[dreg:$0x0] =	wrdreg $0x0  }
0xa8: {  	s5 =	sshll.u32 s28, $0x1;
	[dreg:$0x2] =	wrdreg s3  }
0xa9: {  	[dreg:$0x3] =	wrdreg s5  }
0xaa: {  	[dreg:$0x4] =	wrdreg $0xC0  }
0xab: {  	_ =	task [dreg:s7], $0x5FFFF  }
0xac: {  	[dreg:$0x1] =	wrdreg $0xFFFFFFFF  }
0xad: {  	[dreg:$0x0] =	wrdreg $0x60  }
0xae: {  	[dreg:$0x2] =	wrdreg s2  }
0xaf: {  	[dreg:$0x3] =	wrdreg s24  }
0xb0: {  	[dreg:$0x4] =	wrdreg $0xA4000  }
0xb1: {  	[dreg:$0x5] =	wrdreg $0x9  }
0xb2: {  	_ =	task.clear_ibuf [dreg:s7], $0x6FFFF;
	_ =	strace $0x90000049  }
0xb3: {  	s29 =	simm.s32 $0x9;
	_ =	strace $0x8000004B  }
0xb4: {  	_ =	swait.ge [sflag:s29], $0x1  }
0xb5: {  	[sflag:s29] =	ssyncadd.s32 $0xFFFFFFFF  }
0xb6: {  	_ =	strace $0x9000004B  }
0xb7: {  	_ =	sfence  }
0xb8: {  	s30 =	sld [smem:$0x0];
	_ =	sdelay $0x2  }
0xb9: {  	s31 =	sshll.u32 s1, $0xD;
	s1 =	sshrl.u32 s1, $0x2  }
0xba: {  	s3 =	sand.u32 $0x4000, s31;
	s1 =	sadd.s32 s1, s30  }
0xbb: {  	s0 =	sor.u32 s3, s0;
	s1 =	sshll.u32 s1, $0x11  }
0xbc: {  	s0 =	sor.u32 s1, s0  }
0xbd: {  	s0 =	sadd.s32 $0x8F2B, s0  }
0xbe: {  	[sflag:s0] =	ssyncadd.remote.s32 $0x1  }
0xbf: {  	_ =	sfence.sel $0xFFFF  }
0xc0: {  	[dreg:$0x0] =	wrdreg $0xFFFFFFFF;
	(pc) =	sbr.abs _section_cstart, $3  }
0xc1: {  	[dreg:$0x1] =	wrdreg $0xFFFFFFFF  }
0xc2: {  	_ =	task.clear_ibuf [dreg:s7], $0x2FFFF;
	_ =	strace $0x9FFFFFFF  }
0xc3: {  	(tm) =	ssettm $0x7FFFFFFF  }
tec
execute0_lowered:
.L_overlay_start_1:
0x0: {  	(tag) =	ssettag $0x1  }
0x1: {  	s12 =	rddreg [dreg:$0x0]  }
0x2: {  	s0 =	rddreg [dreg:$0x1]  }
0x3: {  	s3 =	rddreg [dreg:$0x2];
	s4 =	simm.s32 $0x0;
	s1 =	stileid.u32  }
0x4: {  	s6 =	srdreg.scid;
	s15 =	simm.s32 $0x9;
	s11 =	simm.s32 $0x200  }
0x5: {  	s17 =	simm.s32 $0x50;
	s14 =	simm.s32 $0x400;
	s18 =	simm.s32 $0x80  }
0x6: {  	s19 =	simm.s32 $0x280;
	s20 =	simm.s32 $0x2C00;
	s28 =	simm.s32 $0x7C00  }
0x7: {  	s29 =	simm.s32 $0x1;
	s30 =	simm.s32 $0x2;
	s31 =	simm.s32 $0x3  }
0x8: {  	s10 =	simm.s32 $0x0;
	[smem:$0x7FF] =	sst s4;
	s2 =	smul.u32 $0xA00, s1  }
0x9: {  	s5 =	sadd.s32 $0xFA00, s0;
	s6 =	sand.u32 $0x1, s6;
	s8 =	smul.u32 $0x50000, s1  }
0xa: {  	s7 =	sadd.s32 $0xD200, s0;
	s9 =	sadd.s32 $0x36C00, s0;
	s24 =	smul.u32 $0x2800, s1  }
0xb: {  	s25 =	sshll.u32 s1, $0x6;
	_ =	strace $0x8000004A;
	[dreg:$0x4] =	wrdreg s7  }
0xc: {  	s21 =	ssub.s32 $0x2, s6;
	[dreg:$0x5] =	wrdreg s9;
	p0 =	seq.s32 s6, $0x1  }
0xd: {  	s9 =	sor.u32 $0x1C09, s25;
	s7 =	simm.s32 $0x6;
	s2 =	sadd.s32 s2, s0  }
0xe: {  	s0 =	sadd.s32 $0xB7E00, s0;
	s22 =	sshrl.u32 s21, $0x1;
	[dreg:$0x7] =	wrdreg s24  }
0xf: {  	s23 =	sshrl.u32 s8, $0x2;
	s8 =	simm.s32 $0x7;
	[dreg:$0x9] =	wrdreg s9  }
.Ltmp0:
0x10: {  	[dreg:$0x6] =	wrdreg s0;
	s0 =	ssub.s32 s21, s22;
	(pc) =	sbr.rel .LBB2_1-.Ltmp0, $4  }
0x11: {  	s6 =	sadd.s32 s23, s3;
	s26 =	sadd.s32 $0x3200, s2;
	s13 =	sadd.s32 $0x5FA00, s2  }
0x12: {  	s2 =	simm.s32 $0x5;
	s0 =	smax.u32 s0, $0x1;
	[dreg:$0xa] =	wrdreg s26  }
0x13: {  	s16 =	sshrl.u32 s6, $0x3;
	s26 =	simm.s32 $0x380;
	[dreg:$0x8] =	wrdreg s0  }
0x14: {  	s6 =	simm.s32 $0x8;
	s0 =	simm.s32 $0x4;
	[dreg:$0xb] =	wrdreg s16  }
.LBB2_7:
0x15: {  	s1 =	sadd.s32 s10, s13;
	[sflag:s6] =	ssyncadd.s32 $0xFFFFD800  }
0x16: {  	[tilespmem:s4], [sflag:$0x9] =	stream.linear.gather [hbm4b:s1+s4], $0x50, $0x38;
	[tilespmem:$0x1E400] =	vst v63  }
0x17: {  	_ =	swait.ge [sflag:s15], $0x50  }
0x18: {  	[sflag:s15] =	ssyncset.done $0x0  }
0x19: {  	s9 =	sadd.s32 s10, s12;
	[sflag:s15] =	ssyncadd.s32 $0xFFFFFFB0  }
0x1a: {  	[tilespmem:s18], [sflag:$0x9] =	stream.linear.gather [hbm4b:s9+s4], $0x50, $0x38;
	[tilespmem:$0x1E400] =	vst v63  }
0x1b: {  	_ =	swait.ge [sflag:s15], $0x50  }
0x1c: {  	[sflag:s15] =	ssyncset.done $0x0  }
0x1d: {  	[sflag:s15] =	ssyncadd.s32 $0xFFFFFFB0  }
0x1e: {  	[tilespmem:s19], [sflag:$0x1] =	stream.indirect.gather [hbm4b:s5+s17], $0x80, s4, s17, $0xb8;
	[tilespmem:$0x1E400] =	vst v63  }
0x1f: {  	s11 =	sadd.s32 $0xA, s1  }
0x20: {  	[tilespmem:s20], [sflag:$0x9] =	stream.linear.gather [hbm4b:s11+s4], $0x50, $0x38;
	[tilespmem:$0x1E400] =	vst v63  }
0x21: {  	_ =	swait.ge [sflag:s15], $0x50  }
0x22: {  	[sflag:s15] =	ssyncset.done $0x0  }
0x23: {  	s12 =	sadd.s32 $0xA, s9;
	[sflag:s15] =	ssyncadd.s32 $0xFFFFFFB0  }
0x24: {  	[tilespmem:s21], [sflag:$0x9] =	stream.linear.gather [hbm4b:s12+s4], $0x50, $0x38;
	[tilespmem:$0x1E400] =	vst v63  }
0x25: {  	_ =	swait.ge [sflag:s15], $0x50  }
0x26: {  	[sflag:s15] =	ssyncset.done $0x0  }
0x27: {  	[sflag:s15] =	ssyncadd.s32 $0xFFFFFFB0  }
0x28: {  	[tilespmem:s22], [sflag:$0x2] =	stream.indirect.gather [hbm4b:s5+s17], $0x80, s20, s17, $0xb8;
	[tilespmem:$0x1E400] =	vst v63  }
0x29: {  	s14 =	sadd.s32 $0x14, s1  }
0x2a: {  	[tilespmem:s23], [sflag:$0x9] =	stream.linear.gather [hbm4b:s14+s4], $0x50, $0x38;
	[tilespmem:$0x1E400] =	vst v63  }
0x2b: {  	_ =	swait.ge [sflag:s15], $0x50  }
0x2c: {  	[sflag:s15] =	ssyncset.done $0x0  }
0x2d: {  	s20 =	sadd.s32 $0x14, s9;
	[sflag:s15] =	ssyncadd.s32 $0xFFFFFFB0  }
0x2e: {  	[tilespmem:s24], [sflag:$0x9] =	stream.linear.gather [hbm4b:s20+s4], $0x50, $0x38;
	[tilespmem:$0x1E400] =	vst v63  }
0x2f: {  	_ =	swait.ge [sflag:s15], $0x50  }
0x30: {  	[sflag:s15] =	ssyncset.done $0x0  }
0x31: {  	[sflag:s15] =	ssyncadd.s32 $0xFFFFFFB0  }
0x32: {  	[tilespmem:s25], [sflag:$0x3] =	stream.indirect.gather [hbm4b:s5+s17], $0x80, s23, s17, $0xb8;
	[tilespmem:$0x1E400] =	vst v63  }
0x33: {  	s1 =	sadd.s32 $0x1E, s1  }
0x34: {  	[tilespmem:s16], [sflag:$0x9] =	stream.linear.gather [hbm4b:s1+s4], $0x50, $0x38;
	[tilespmem:$0x1E400] =	vst v63  }
0x35: {  	_ =	swait.ge [sflag:s15], $0x50  }
0x36: {  	[sflag:s15] =	ssyncset.done $0x0  }
0x37: {  	s23 =	sadd.s32 $0x1E, s9;
	[sflag:s15] =	ssyncadd.s32 $0xFFFFFFB0  }
0x38: {  	[tilespmem:s26], [sflag:$0x9] =	stream.linear.gather [hbm4b:s23+s4], $0x50, $0x38;
	[tilespmem:$0x1E400] =	vst v63  }
0x39: {  	_ =	swait.ge [sflag:s15], $0x50  }
0x3a: {  	[sflag:s15] =	ssyncset.done $0x0  }
0x3b: {  	[sflag:s15] =	ssyncadd.s32 $0xFFFFFFB0  }
0x3c: {  	[tilespmem:s28], [sflag:$0x4] =	stream.indirect.gather [hbm4b:s5+s17], $0x80, s16, s17, $0xb8;
	[tilespmem:$0x1E400] =	vst v63  }
0x3d: {  	_ =	swait.ge [sflag:s29], $0x2800  }
0x3e: {  	[sflag:s29] =	ssyncset.done $0x0  }
0x3f: {  	[sflag:s29] =	ssyncadd.s32 $0xFFFFD800  }
0x40: {  	[spmem:s3] =	stream.indirect.scatter.add.f32 [tilespmem:s19], [sflag:$0x5], $0x80, s18, s17, $0xb8;
	[tilespmem:$0x1E400] =	vst v63  }
0x41: {  	_ =	swait.ge [sflag:s30], $0x2800  }
0x42: {  	[sflag:s30] =	ssyncset.done $0x0  }
0x43: {  	[sflag:s30] =	ssyncadd.s32 $0xFFFFD800  }
0x44: {  	[spmem:s3] =	stream.indirect.scatter.add.f32 [tilespmem:s22], [sflag:$0x6], $0x80, s21, s17, $0xb8;
	[tilespmem:$0x1E400] =	vst v63  }
0x45: {  	_ =	swait.ge [sflag:s31], $0x2800  }
0x46: {  	[sflag:s31] =	ssyncset.done $0x0  }
0x47: {  	[sflag:s31] =	ssyncadd.s32 $0xFFFFD800  }
0x48: {  	[spmem:s3] =	stream.indirect.scatter.add.f32 [tilespmem:s25], [sflag:$0x7], $0x80, s24, s17, $0xb8;
	[tilespmem:$0x1E400] =	vst v63  }
0x49: {  	_ =	swait.ge [sflag:s0], $0x2800  }
0x4a: {  	[sflag:s0] =	ssyncset.done $0x0  }
0x4b: {  	[sflag:s0] =	ssyncadd.s32 $0xFFFFD800  }
0x4c: {  	[spmem:s3] =	stream.indirect.scatter.add.f32 [tilespmem:s28], [sflag:$0x8], $0x80, s26, s17, $0xb8;
	[tilespmem:$0x1E400] =	vst v63  }
0x4d: {  	_ =	swait.ge [sflag:s2], $0x2800  }
0x4e: {  	[sflag:s2] =	ssyncset.done $0x0  }
0x4f: {  	[sflag:s2] =	ssyncadd.s32 $0xFFFFD800  }
0x50: {  	_ =	swait.ge [sflag:s7], $0x2800  }
0x51: {  	[sflag:s7] =	ssyncset.done $0x0  }
0x52: {  	[sflag:s7] =	ssyncadd.s32 $0xFFFFD800  }
0x53: {  	_ =	swait.ge [sflag:s8], $0x2800  }
0x54: {  	[sflag:s8] =	ssyncset.done $0x0  }
0x55: {  	[sflag:s8] =	ssyncadd.s32 $0xFFFFD800  }
0x56: {  	_ =	swait.ge [sflag:s6], $0x2800  }
0x57: {  	s9 =	rddreg [dreg:$0x6]  }
0x58: {  	s11 =	simm.s32 $0x200;
	[sflag:s6] =	ssyncset.done $0x0;
	s10 =	rddreg [dreg:$0xc]  }
0x59: {  	s14 =	simm.s32 $0x400;
	s16 =	rddreg [dreg:$0xb];
	[sflag:s6] =	ssyncadd.s32 $0xFFFFD800  }
0x5a: {  	s20 =	simm.s32 $0x2C00;
	s19 =	simm.s32 $0x280;
	s12 =	rddreg [dreg:$0x0]  }
.LBB2_8:
0x5b: {  	s1 =	rddreg [dreg:$0x7];
	[bflag:$0x0] =	sbarrier.arrive $0xFFFF  }
0x5c: {  	s1 =	sadd.s32 s9, s1;
	s9 =	rddreg [dreg:$0x9]  }
0x5d: {  	[hbm:s1], [sflag:s9] =	dma.local [spmem:s16], $0x2800  }
0x5e: {  	_ =	swait.ge [sflag:s15], $0x2800  }
0x5f: {  	s10 =	sadd.s32 $0x1, s10;
	s25 =	rddreg [dreg:$0x8]  }
0x60: {  	p1 =	sne.s32 s10, s25  }
.Ltmp1:
0x61: {  	_ = 	snop;
	(pc) =	sbr.rel @!p1 .LBB2_9-.Ltmp1, $3  }
0x62: {  	_ =	sdelay $0x1  }
0x63: {  	[sflag:s15] =	ssyncset.done $0x0  }
0x64: {  	s18 =	simm.s32 $0x80;
	[sflag:s15] =	ssyncadd.s32 $0xFFFFD800  }
.LBB2_1:
0x65: {  	[dreg:$0xc] =	wrdreg s10  }
0x66: {  	s1 =	rddreg [dreg:$0x4]  }
0x67: {  	[spmem:s16], [sflag:s9] =	dma.local [hbm:s1], $0x2800  }
.Ltmp2:
0x68: {  	_ =	swait.ge [sflag:s15], $0x2800;
	(pc) =	sbr.rel @!p0 .LBB2_2-.Ltmp2, $3  }
0x69: {  	[sflag:s15] =	ssyncset.done $0x0  }
0x6a: {  	[sflag:s15] =	ssyncadd.s32 $0xFFFFD800  }
0x6b: {  	[bflag:$0x0] =	sbarrier.arrive $0xFFFF;
	_ =	sdelay $0x1  }
0x6c: {  	s1 =	sadd.s32 $0x0, s13  }
0x6d: {  	[tilespmem:s4], [sflag:$0x9] =	stream.linear.gather [hbm4b:s1+s4], $0x50, $0x38;
	[tilespmem:$0x1E400] =	vst v63  }
0x6e: {  	_ =	swait.ge [sflag:s15], $0x50  }
0x6f: {  	[sflag:s15] =	ssyncset.done $0x0;
	s12 =	rddreg [dreg:$0xa]  }
0x70: {  	[sflag:s15] =	ssyncadd.s32 $0xFFFFFFB0;
	s9 =	sadd.s32 $0x0, s12  }
0x71: {  	[tilespmem:s11], [sflag:$0x9] =	stream.linear.gather [hbm4b:s9+s4], $0x50, $0x38;
	[tilespmem:$0x1E400] =	vst v63  }
0x72: {  	_ =	swait.ge [sflag:s15], $0x50  }
0x73: {  	[sflag:s15] =	ssyncset.done $0x0  }
0x74: {  	[sflag:s15] =	ssyncadd.s32 $0xFFFFFFB0  }
0x75: {  	[tilespmem:s14], [sflag:$0x1] =	stream.indirect.gather [hbm4b:s5+s17], $0x80, s4, s17, $0xb8;
	[tilespmem:$0x1E400] =	vst v63  }
0x76: {  	s10 =	sadd.s32 $0xA, s1  }
0x77: {  	[tilespmem:s18], [sflag:$0x9] =	stream.linear.gather [hbm4b:s10+s4], $0x50, $0x38;
	[tilespmem:$0x1E400] =	vst v63  }
0x78: {  	_ =	swait.ge [sflag:s15], $0x50  }
0x79: {  	[sflag:s15] =	ssyncset.done $0x0  }
0x7a: {  	s16 =	sadd.s32 $0xA, s9;
	[sflag:s15] =	ssyncadd.s32 $0xFFFFFFB0  }
0x7b: {  	[tilespmem:s19], [sflag:$0x9] =	stream.linear.gather [hbm4b:s16+s4], $0x50, $0x38;
	[tilespmem:$0x1E400] =	vst v63  }
0x7c: {  	_ =	swait.ge [sflag:s15], $0x50  }
0x7d: {  	[sflag:s15] =	ssyncset.done $0x0  }
0x7e: {  	[sflag:s15] =	ssyncadd.s32 $0xFFFFFFB0  }
0x7f: {  	[tilespmem:s20], [sflag:$0x2] =	stream.indirect.gather [hbm4b:s5+s17], $0x80, s18, s17, $0xb8;
	[tilespmem:$0x1E400] =	vst v63  }
0x80: {  	s23 =	simm.s32 $0x100;
	s18 =	sadd.s32 $0x14, s1  }
0x81: {  	[tilespmem:s23], [sflag:$0x9] =	stream.linear.gather [hbm4b:s18+s4], $0x50, $0x38;
	[tilespmem:$0x1E400] =	vst v63  }
0x82: {  	_ =	swait.ge [sflag:s15], $0x50  }
0x83: {  	[sflag:s15] =	ssyncset.done $0x0  }
0x84: {  	s24 =	simm.s32 $0x300;
	s21 =	sadd.s32 $0x14, s9;
	[sflag:s15] =	ssyncadd.s32 $0xFFFFFFB0  }
0x85: {  	[tilespmem:s24], [sflag:$0x9] =	stream.linear.gather [hbm4b:s21+s4], $0x50, $0x38;
	[tilespmem:$0x1E400] =	vst v63  }
0x86: {  	_ =	swait.ge [sflag:s15], $0x50  }
0x87: {  	[sflag:s15] =	ssyncset.done $0x0  }
0x88: {  	s25 =	simm.s32 $0x5400;
	[sflag:s15] =	ssyncadd.s32 $0xFFFFFFB0  }
0x89: {  	[tilespmem:s25], [sflag:$0x3] =	stream.indirect.gather [hbm4b:s5+s17], $0x80, s23, s17, $0xb8;
	[tilespmem:$0x1E400] =	vst v63  }
0x8a: {  	s16 =	simm.s32 $0x180;
	s1 =	sadd.s32 $0x1E, s1  }
0x8b: {  	[tilespmem:s16], [sflag:$0x9] =	stream.linear.gather [hbm4b:s1+s4], $0x50, $0x38;
	[tilespmem:$0x1E400] =	vst v63  }
0x8c: {  	_ =	swait.ge [sflag:s15], $0x50  }
0x8d: {  	[sflag:s15] =	ssyncset.done $0x0  }
0x8e: {  	s22 =	sadd.s32 $0x1E, s9;
	[sflag:s15] =	ssyncadd.s32 $0xFFFFFFB0  }
0x8f: {  	[tilespmem:s26], [sflag:$0x9] =	stream.linear.gather [hbm4b:s22+s4], $0x50, $0x38;
	[tilespmem:$0x1E400] =	vst v63  }
0x90: {  	_ =	swait.ge [sflag:s15], $0x50  }
0x91: {  	[sflag:s15] =	ssyncset.done $0x0  }
0x92: {  	[sflag:s15] =	ssyncadd.s32 $0xFFFFFFB0  }
0x93: {  	[tilespmem:s28], [sflag:$0x4] =	stream.indirect.gather [hbm4b:s5+s17], $0x80, s16, s17, $0xb8;
	[tilespmem:$0x1E400] =	vst v63  }
0x94: {  	_ =	swait.ge [sflag:s29], $0x2800  }
0x95: {  	[sflag:s29] =	ssyncset.done $0x0  }
0x96: {  	[sflag:s29] =	ssyncadd.s32 $0xFFFFD800  }
0x97: {  	[spmem:s3] =	stream.indirect.scatter.add.f32 [tilespmem:s14], [sflag:$0x5], $0x80, s11, s17, $0xb8;
	[tilespmem:$0x1E400] =	vst v63  }
0x98: {  	_ =	swait.ge [sflag:s30], $0x2800  }
0x99: {  	[sflag:s30] =	ssyncset.done $0x0  }
0x9a: {  	[sflag:s30] =	ssyncadd.s32 $0xFFFFD800  }
0x9b: {  	[spmem:s3] =	stream.indirect.scatter.add.f32 [tilespmem:s20], [sflag:$0x6], $0x80, s19, s17, $0xb8;
	[tilespmem:$0x1E400] =	vst v63  }
0x9c: {  	_ =	swait.ge [sflag:s31], $0x2800  }
0x9d: {  	[sflag:s31] =	ssyncset.done $0x0  }
0x9e: {  	[sflag:s31] =	ssyncadd.s32 $0xFFFFD800  }
0x9f: {  	[spmem:s3] =	stream.indirect.scatter.add.f32 [tilespmem:s25], [sflag:$0x7], $0x80, s24, s17, $0xb8;
	[tilespmem:$0x1E400] =	vst v63  }
0xa0: {  	_ =	swait.ge [sflag:s0], $0x2800  }
0xa1: {  	[sflag:s0] =	ssyncset.done $0x0  }
0xa2: {  	[sflag:s0] =	ssyncadd.s32 $0xFFFFD800  }
0xa3: {  	[spmem:s3] =	stream.indirect.scatter.add.f32 [tilespmem:s28], [sflag:$0x8], $0x80, s26, s17, $0xb8;
	[tilespmem:$0x1E400] =	vst v63  }
0xa4: {  	_ =	swait.ge [sflag:s2], $0x2800  }
0xa5: {  	[sflag:s2] =	ssyncset.done $0x0  }
0xa6: {  	[sflag:s2] =	ssyncadd.s32 $0xFFFFD800  }
0xa7: {  	_ =	swait.ge [sflag:s7], $0x2800  }
0xa8: {  	[sflag:s7] =	ssyncset.done $0x0  }
0xa9: {  	[sflag:s7] =	ssyncadd.s32 $0xFFFFD800  }
0xaa: {  	_ =	swait.ge [sflag:s8], $0x2800  }
0xab: {  	s9 =	simm.s32 $0x50;
	[sflag:s8] =	ssyncset.done $0x0  }
0xac: {  	s10 =	simm.s32 $0x28;
	s18 =	simm.s32 $0x200;
	[sflag:s8] =	ssyncadd.s32 $0xFFFFD800  }
0xad: {  	s21 =	simm.s32 $0x280;
	s22 =	simm.s32 $0x2C00;
	_ =	swait.ge [sflag:s6], $0x2800  }
0xae: {  	s19 =	simm.s32 $0x400;
	s20 =	simm.s32 $0x80;
	[sflag:s6] =	ssyncset.done $0x0  }
.LBB2_6:
0xaf: {  	s14 =	sadd.s32 s10, s13  }
0xb0: {  	[sflag:s6] =	ssyncadd.s32 $0xFFFFD800;
	s1 =	smov.u32 s9;
	s11 =	sadd.s32 $0x28, s9  }
0xb1: {  	[tilespmem:s4], [sflag:$0x9] =	stream.linear.gather [hbm4b:s14+s4], $0x50, $0x38;
	[tilespmem:$0x1E400] =	vst v63  }
0xb2: {  	p1 =	sne.s32 s9, $0x9D8;
	_ =	swait.ge [sflag:s15], $0x50  }
0xb3: {  	[sflag:s15] =	ssyncset.done $0x0  }
0xb4: {  	s9 =	sadd.s32 s10, s12;
	s10 =	smov.u32 s1;
	[sflag:s15] =	ssyncadd.s32 $0xFFFFFFB0  }
0xb5: {  	[tilespmem:s18], [sflag:$0x9] =	stream.linear.gather [hbm4b:s9+s4], $0x50, $0x38;
	[tilespmem:$0x1E400] =	vst v63  }
0xb6: {  	_ =	swait.ge [sflag:s15], $0x50  }
0xb7: {  	[sflag:s15] =	ssyncset.done $0x0  }
0xb8: {  	[sflag:s15] =	ssyncadd.s32 $0xFFFFFFB0  }
0xb9: {  	[tilespmem:s19], [sflag:$0x1] =	stream.indirect.gather [hbm4b:s5+s17], $0x80, s4, s17, $0xb8;
	[tilespmem:$0x1E400] =	vst v63  }
0xba: {  	s1 =	sadd.s32 $0xA, s14  }
0xbb: {  	[tilespmem:s20], [sflag:$0x9] =	stream.linear.gather [hbm4b:s1+s4], $0x50, $0x38;
	[tilespmem:$0x1E400] =	vst v63  }
0xbc: {  	_ =	swait.ge [sflag:s15], $0x50  }
0xbd: {  	[sflag:s15] =	ssyncset.done $0x0  }
0xbe: {  	s1 =	sadd.s32 $0xA, s9;
	[sflag:s15] =	ssyncadd.s32 $0xFFFFFFB0  }
0xbf: {  	[tilespmem:s21], [sflag:$0x9] =	stream.linear.gather [hbm4b:s1+s4], $0x50, $0x38;
	[tilespmem:$0x1E400] =	vst v63  }
0xc0: {  	_ =	swait.ge [sflag:s15], $0x50  }
0xc1: {  	[sflag:s15] =	ssyncset.done $0x0  }
0xc2: {  	[sflag:s15] =	ssyncadd.s32 $0xFFFFFFB0  }
0xc3: {  	[tilespmem:s22], [sflag:$0x2] =	stream.indirect.gather [hbm4b:s5+s17], $0x80, s20, s17, $0xb8;
	[tilespmem:$0x1E400] =	vst v63  }
0xc4: {  	s1 =	sadd.s32 $0x14, s14  }
0xc5: {  	[tilespmem:s23], [sflag:$0x9] =	stream.linear.gather [hbm4b:s1+s4], $0x50, $0x38;
	[tilespmem:$0x1E400] =	vst v63  }
0xc6: {  	_ =	swait.ge [sflag:s15], $0x50  }
0xc7: {  	[sflag:s15] =	ssyncset.done $0x0  }
0xc8: {  	s1 =	sadd.s32 $0x14, s9;
	[sflag:s15] =	ssyncadd.s32 $0xFFFFFFB0  }
0xc9: {  	[tilespmem:s24], [sflag:$0x9] =	stream.linear.gather [hbm4b:s1+s4], $0x50, $0x38;
	[tilespmem:$0x1E400] =	vst v63  }
0xca: {  	_ =	swait.ge [sflag:s15], $0x50  }
0xcb: {  	[sflag:s15] =	ssyncset.done $0x0  }
0xcc: {  	[sflag:s15] =	ssyncadd.s32 $0xFFFFFFB0  }
0xcd: {  	[tilespmem:s25], [sflag:$0x3] =	stream.indirect.gather [hbm4b:s5+s17], $0x80, s23, s17, $0xb8;
	[tilespmem:$0x1E400] =	vst v63  }
0xce: {  	s1 =	sadd.s32 $0x1E, s14  }
0xcf: {  	[tilespmem:s16], [sflag:$0x9] =	stream.linear.gather [hbm4b:s1+s4], $0x50, $0x38;
	[tilespmem:$0x1E400] =	vst v63  }
0xd0: {  	_ =	swait.ge [sflag:s15], $0x50  }
0xd1: {  	[sflag:s15] =	ssyncset.done $0x0  }
0xd2: {  	s1 =	sadd.s32 $0x1E, s9;
	[sflag:s15] =	ssyncadd.s32 $0xFFFFFFB0  }
0xd3: {  	[tilespmem:s26], [sflag:$0x9] =	stream.linear.gather [hbm4b:s1+s4], $0x50, $0x38;
	[tilespmem:$0x1E400] =	vst v63  }
0xd4: {  	_ =	swait.ge [sflag:s15], $0x50  }
0xd5: {  	[sflag:s15] =	ssyncset.done $0x0  }
0xd6: {  	[sflag:s15] =	ssyncadd.s32 $0xFFFFFFB0  }
0xd7: {  	[tilespmem:s28], [sflag:$0x4] =	stream.indirect.gather [hbm4b:s5+s17], $0x80, s16, s17, $0xb8;
	[tilespmem:$0x1E400] =	vst v63  }
0xd8: {  	_ =	swait.ge [sflag:s29], $0x2800  }
0xd9: {  	[sflag:s29] =	ssyncset.done $0x0  }
0xda: {  	[sflag:s29] =	ssyncadd.s32 $0xFFFFD800  }
0xdb: {  	[spmem:s3] =	stream.indirect.scatter.add.f32 [tilespmem:s19], [sflag:$0x5], $0x80, s18, s17, $0xb8;
	[tilespmem:$0x1E400] =	vst v63  }
0xdc: {  	_ =	swait.ge [sflag:s30], $0x2800  }
0xdd: {  	[sflag:s30] =	ssyncset.done $0x0  }
0xde: {  	[sflag:s30] =	ssyncadd.s32 $0xFFFFD800  }
0xdf: {  	[spmem:s3] =	stream.indirect.scatter.add.f32 [tilespmem:s22], [sflag:$0x6], $0x80, s21, s17, $0xb8;
	[tilespmem:$0x1E400] =	vst v63  }
0xe0: {  	_ =	swait.ge [sflag:s31], $0x2800  }
0xe1: {  	[sflag:s31] =	ssyncset.done $0x0  }
0xe2: {  	[sflag:s31] =	ssyncadd.s32 $0xFFFFD800  }
0xe3: {  	[spmem:s3] =	stream.indirect.scatter.add.f32 [tilespmem:s25], [sflag:$0x7], $0x80, s24, s17, $0xb8;
	[tilespmem:$0x1E400] =	vst v63  }
0xe4: {  	_ =	swait.ge [sflag:s0], $0x2800  }
0xe5: {  	[sflag:s0] =	ssyncset.done $0x0  }
0xe6: {  	[sflag:s0] =	ssyncadd.s32 $0xFFFFD800  }
0xe7: {  	[spmem:s3] =	stream.indirect.scatter.add.f32 [tilespmem:s28], [sflag:$0x8], $0x80, s26, s17, $0xb8;
	[tilespmem:$0x1E400] =	vst v63  }
0xe8: {  	_ =	swait.ge [sflag:s2], $0x2800  }
0xe9: {  	[sflag:s2] =	ssyncset.done $0x0  }
0xea: {  	[sflag:s2] =	ssyncadd.s32 $0xFFFFD800  }
0xeb: {  	_ =	swait.ge [sflag:s7], $0x2800  }
0xec: {  	[sflag:s7] =	ssyncset.done $0x0  }
0xed: {  	[sflag:s7] =	ssyncadd.s32 $0xFFFFD800  }
.Ltmp3:
0xee: {  	_ =	swait.ge [sflag:s8], $0x2800;
	(pc) =	sbr.rel @p1 .LBB2_6-.Ltmp3, $4  }
0xef: {  	[sflag:s8] =	ssyncset.done $0x0  }
0xf0: {  	[sflag:s8] =	ssyncadd.s32 $0xFFFFD800  }
0xf1: {  	_ =	swait.ge [sflag:s6], $0x2800  }
0xf2: {  	s9 =	smov.u32 s11;
	[sflag:s6] =	ssyncset.done $0x0  }
.Ltmp4:
0xf3: {  	_ = 	snop;
	(pc) =	sbr.rel .LBB2_7-.Ltmp4, $1  }
0xf4: {  	_ =	sdelay $0x3  }
.LBB2_2:
0xf5: {  	s9 =	sadd.s32 $0x0, s13  }
0xf6: {  	[tilespmem:s4], [sflag:$0x9] =	stream.linear.gather [hbm4b:s9+s4], $0x50, $0x38;
	[tilespmem:$0x1E400] =	vst v63  }
0xf7: {  	_ =	swait.ge [sflag:s15], $0x50  }
0xf8: {  	s16 =	smov.u32 s13;
	[sflag:s15] =	ssyncset.done $0x0;
	s13 =	rddreg [dreg:$0xa]  }
0xf9: {  	[sflag:s15] =	ssyncadd.s32 $0xFFFFFFB0;
	s10 =	sadd.s32 $0x0, s13  }
0xfa: {  	[tilespmem:s11], [sflag:$0x9] =	stream.linear.gather [hbm4b:s10+s4], $0x50, $0x38;
	[tilespmem:$0x1E400] =	vst v63  }
0xfb: {  	_ =	swait.ge [sflag:s15], $0x50  }
0xfc: {  	[sflag:s15] =	ssyncset.done $0x0  }
0xfd: {  	[sflag:s15] =	ssyncadd.s32 $0xFFFFFFB0  }
0xfe: {  	[tilespmem:s14], [sflag:$0x1] =	stream.indirect.gather [hbm4b:s12+s17], $0x80, s4, s17, $0xb8;
	[tilespmem:$0x1E400] =	vst v63  }
0xff: {  	s20 =	simm.s32 $0x80;
	s23 =	sadd.s32 $0xA, s9  }
0x100: {  	[tilespmem:s20], [sflag:$0x9] =	stream.linear.gather [hbm4b:s23+s4], $0x50, $0x38;
	[tilespmem:$0x1E400] =	vst v63  }
0x101: {  	_ =	swait.ge [sflag:s15], $0x50  }
0x102: {  	[sflag:s15] =	ssyncset.done $0x0  }
0x103: {  	s21 =	simm.s32 $0x280;
	s24 =	sadd.s32 $0xA, s10;
	[sflag:s15] =	ssyncadd.s32 $0xFFFFFFB0  }
0x104: {  	[tilespmem:s21], [sflag:$0x9] =	stream.linear.gather [hbm4b:s24+s4], $0x50, $0x38;
	[tilespmem:$0x1E400] =	vst v63  }
0x105: {  	_ =	swait.ge [sflag:s15], $0x50  }
0x106: {  	[sflag:s15] =	ssyncset.done $0x0  }
0x107: {  	s22 =	simm.s32 $0x2C00;
	[sflag:s15] =	ssyncadd.s32 $0xFFFFFFB0  }
0x108: {  	[tilespmem:s22], [sflag:$0x2] =	stream.indirect.gather [hbm4b:s12+s17], $0x80, s20, s17, $0xb8;
	[tilespmem:$0x1E400] =	vst v63  }
0x109: {  	s25 =	sadd.s32 $0x14, s9;
	s23 =	simm.s32 $0x100  }
0x10a: {  	[tilespmem:s23], [sflag:$0x9] =	stream.linear.gather [hbm4b:s25+s4], $0x50, $0x38;
	[tilespmem:$0x1E400] =	vst v63  }
0x10b: {  	_ =	swait.ge [sflag:s15], $0x50  }
0x10c: {  	[sflag:s15] =	ssyncset.done $0x0  }
0x10d: {  	s1 =	sadd.s32 $0x14, s10;
	s24 =	simm.s32 $0x300;
	[sflag:s15] =	ssyncadd.s32 $0xFFFFFFB0  }
0x10e: {  	[tilespmem:s24], [sflag:$0x9] =	stream.linear.gather [hbm4b:s1+s4], $0x50, $0x38;
	[tilespmem:$0x1E400] =	vst v63  }
0x10f: {  	_ =	swait.ge [sflag:s15], $0x50  }
0x110: {  	[sflag:s15] =	ssyncset.done $0x0  }
0x111: {  	s25 =	simm.s32 $0x5400;
	[sflag:s15] =	ssyncadd.s32 $0xFFFFFFB0  }
0x112: {  	[tilespmem:s25], [sflag:$0x3] =	stream.indirect.gather [hbm4b:s12+s17], $0x80, s23, s17, $0xb8;
	[tilespmem:$0x1E400] =	vst v63  }
0x113: {  	s9 =	sadd.s32 $0x1E, s9;
	s1 =	simm.s32 $0x180  }
0x114: {  	[tilespmem:s1], [sflag:$0x9] =	stream.linear.gather [hbm4b:s9+s4], $0x50, $0x38;
	[tilespmem:$0x1E400] =	vst v63  }
0x115: {  	_ =	swait.ge [sflag:s15], $0x50  }
0x116: {  	[sflag:s15] =	ssyncset.done $0x0  }
0x117: {  	s14 =	sadd.s32 $0x1E, s10;
	[sflag:s15] =	ssyncadd.s32 $0xFFFFFFB0  }
0x118: {  	[tilespmem:s26], [sflag:$0x9] =	stream.linear.gather [hbm4b:s14+s4], $0x50, $0x38;
	[tilespmem:$0x1E400] =	vst v63  }
0x119: {  	_ =	swait.ge [sflag:s15], $0x50  }
0x11a: {  	[sflag:s15] =	ssyncset.done $0x0  }
0x11b: {  	[sflag:s15] =	ssyncadd.s32 $0xFFFFFFB0  }
0x11c: {  	[tilespmem:s28], [sflag:$0x4] =	stream.indirect.gather [hbm4b:s12+s17], $0x80, s1, s17, $0xb8;
	[tilespmem:$0x1E400] =	vst v63  }
0x11d: {  	_ =	swait.ge [sflag:s29], $0x2800  }
0x11e: {  	[sflag:s29] =	ssyncset.done $0x0  }
0x11f: {  	s19 =	simm.s32 $0x400;
	s18 =	simm.s32 $0x200;
	[sflag:s29] =	ssyncadd.s32 $0xFFFFD800  }
0x120: {  	[spmem:s3] =	stream.indirect.scatter.add.f32 [tilespmem:s19], [sflag:$0x5], $0x80, s18, s17, $0xb8;
	[tilespmem:$0x1E400] =	vst v63  }
0x121: {  	_ =	swait.ge [sflag:s30], $0x2800  }
0x122: {  	[sflag:s30] =	ssyncset.done $0x0  }
0x123: {  	[sflag:s30] =	ssyncadd.s32 $0xFFFFD800  }
0x124: {  	[spmem:s3] =	stream.indirect.scatter.add.f32 [tilespmem:s22], [sflag:$0x6], $0x80, s21, s17, $0xb8;
	[tilespmem:$0x1E400] =	vst v63  }
0x125: {  	_ =	swait.ge [sflag:s31], $0x2800  }
0x126: {  	[sflag:s31] =	ssyncset.done $0x0  }
0x127: {  	[sflag:s31] =	ssyncadd.s32 $0xFFFFD800  }
0x128: {  	[spmem:s3] =	stream.indirect.scatter.add.f32 [tilespmem:s25], [sflag:$0x7], $0x80, s24, s17, $0xb8;
	[tilespmem:$0x1E400] =	vst v63  }
0x129: {  	_ =	swait.ge [sflag:s0], $0x2800  }
0x12a: {  	[sflag:s0] =	ssyncset.done $0x0  }
0x12b: {  	[sflag:s0] =	ssyncadd.s32 $0xFFFFD800  }
0x12c: {  	[spmem:s3] =	stream.indirect.scatter.add.f32 [tilespmem:s28], [sflag:$0x8], $0x80, s26, s17, $0xb8;
	[tilespmem:$0x1E400] =	vst v63  }
0x12d: {  	_ =	swait.ge [sflag:s2], $0x2800  }
0x12e: {  	[sflag:s2] =	ssyncset.done $0x0  }
0x12f: {  	[sflag:s2] =	ssyncadd.s32 $0xFFFFD800  }
0x130: {  	_ =	swait.ge [sflag:s7], $0x2800  }
0x131: {  	[sflag:s7] =	ssyncset.done $0x0  }
0x132: {  	[sflag:s7] =	ssyncadd.s32 $0xFFFFD800  }
0x133: {  	_ =	swait.ge [sflag:s8], $0x2800  }
0x134: {  	[sflag:s8] =	ssyncset.done $0x0  }
0x135: {  	[sflag:s8] =	ssyncadd.s32 $0xFFFFD800  }
0x136: {  	_ =	swait.ge [sflag:s6], $0x2800  }
0x137: {  	s10 =	simm.s32 $0x28;
	s9 =	simm.s32 $0x50;
	[sflag:s6] =	ssyncset.done $0x0  }
.LBB2_3:
0x138: {  	s14 =	sadd.s32 s10, s16  }
0x139: {  	[sflag:s6] =	ssyncadd.s32 $0xFFFFD800;
	s1 =	smov.u32 s9;
	s11 =	sadd.s32 $0x28, s9  }
0x13a: {  	[tilespmem:s4], [sflag:$0x9] =	stream.linear.gather [hbm4b:s14+s4], $0x50, $0x38;
	[tilespmem:$0x1E400] =	vst v63  }
0x13b: {  	p1 =	seq.s32 s9, $0x9D8;
	_ =	swait.ge [sflag:s15], $0x50  }
0x13c: {  	[sflag:s15] =	ssyncset.done $0x0  }
0x13d: {  	s9 =	sadd.s32 s10, s13;
	s10 =	smov.u32 s1;
	[sflag:s15] =	ssyncadd.s32 $0xFFFFFFB0  }
0x13e: {  	[tilespmem:s18], [sflag:$0x9] =	stream.linear.gather [hbm4b:s9+s4], $0x50, $0x38;
	[tilespmem:$0x1E400] =	vst v63  }
0x13f: {  	_ =	swait.ge [sflag:s15], $0x50  }
0x140: {  	[sflag:s15] =	ssyncset.done $0x0  }
0x141: {  	[sflag:s15] =	ssyncadd.s32 $0xFFFFFFB0  }
0x142: {  	[tilespmem:s19], [sflag:$0x1] =	stream.indirect.gather [hbm4b:s12+s17], $0x80, s4, s17, $0xb8;
	[tilespmem:$0x1E400] =	vst v63  }
0x143: {  	s1 =	sadd.s32 $0xA, s14  }
0x144: {  	[tilespmem:s20], [sflag:$0x9] =	stream.linear.gather [hbm4b:s1+s4], $0x50, $0x38;
	[tilespmem:$0x1E400] =	vst v63  }
0x145: {  	_ =	swait.ge [sflag:s15], $0x50  }
0x146: {  	[sflag:s15] =	ssyncset.done $0x0  }
0x147: {  	s1 =	sadd.s32 $0xA, s9;
	[sflag:s15] =	ssyncadd.s32 $0xFFFFFFB0  }
0x148: {  	[tilespmem:s21], [sflag:$0x9] =	stream.linear.gather [hbm4b:s1+s4], $0x50, $0x38;
	[tilespmem:$0x1E400] =	vst v63  }
0x149: {  	_ =	swait.ge [sflag:s15], $0x50  }
0x14a: {  	[sflag:s15] =	ssyncset.done $0x0  }
0x14b: {  	[sflag:s15] =	ssyncadd.s32 $0xFFFFFFB0  }
0x14c: {  	[tilespmem:s22], [sflag:$0x2] =	stream.indirect.gather [hbm4b:s12+s17], $0x80, s20, s17, $0xb8;
	[tilespmem:$0x1E400] =	vst v63  }
0x14d: {  	s1 =	sadd.s32 $0x14, s14  }
0x14e: {  	[tilespmem:s23], [sflag:$0x9] =	stream.linear.gather [hbm4b:s1+s4], $0x50, $0x38;
	[tilespmem:$0x1E400] =	vst v63  }
0x14f: {  	_ =	swait.ge [sflag:s15], $0x50  }
0x150: {  	[sflag:s15] =	ssyncset.done $0x0  }
0x151: {  	s1 =	sadd.s32 $0x14, s9;
	[sflag:s15] =	ssyncadd.s32 $0xFFFFFFB0  }
0x152: {  	[tilespmem:s24], [sflag:$0x9] =	stream.linear.gather [hbm4b:s1+s4], $0x50, $0x38;
	[tilespmem:$0x1E400] =	vst v63  }
0x153: {  	_ =	swait.ge [sflag:s15], $0x50  }
0x154: {  	[sflag:s15] =	ssyncset.done $0x0  }
0x155: {  	[sflag:s15] =	ssyncadd.s32 $0xFFFFFFB0  }
0x156: {  	[tilespmem:s25], [sflag:$0x3] =	stream.indirect.gather [hbm4b:s12+s17], $0x80, s23, s17, $0xb8;
	[tilespmem:$0x1E400] =	vst v63  }
0x157: {  	s1 =	sadd.s32 $0x1E, s14;
	s14 =	simm.s32 $0x180  }
0x158: {  	[tilespmem:s14], [sflag:$0x9] =	stream.linear.gather [hbm4b:s1+s4], $0x50, $0x38;
	[tilespmem:$0x1E400] =	vst v63  }
0x159: {  	_ =	swait.ge [sflag:s15], $0x50  }
0x15a: {  	[sflag:s15] =	ssyncset.done $0x0  }
0x15b: {  	s1 =	sadd.s32 $0x1E, s9;
	[sflag:s15] =	ssyncadd.s32 $0xFFFFFFB0  }
0x15c: {  	[tilespmem:s26], [sflag:$0x9] =	stream.linear.gather [hbm4b:s1+s4], $0x50, $0x38;
	[tilespmem:$0x1E400] =	vst v63  }
0x15d: {  	_ =	swait.ge [sflag:s15], $0x50  }
0x15e: {  	[sflag:s15] =	ssyncset.done $0x0  }
0x15f: {  	[sflag:s15] =	ssyncadd.s32 $0xFFFFFFB0  }
0x160: {  	[tilespmem:s28], [sflag:$0x4] =	stream.indirect.gather [hbm4b:s12+s17], $0x80, s14, s17, $0xb8;
	[tilespmem:$0x1E400] =	vst v63  }
0x161: {  	_ =	swait.ge [sflag:s29], $0x2800  }
0x162: {  	[sflag:s29] =	ssyncset.done $0x0  }
0x163: {  	[sflag:s29] =	ssyncadd.s32 $0xFFFFD800  }
0x164: {  	[spmem:s3] =	stream.indirect.scatter.add.f32 [tilespmem:s19], [sflag:$0x5], $0x80, s18, s17, $0xb8;
	[tilespmem:$0x1E400] =	vst v63  }
0x165: {  	_ =	swait.ge [sflag:s30], $0x2800  }
0x166: {  	[sflag:s30] =	ssyncset.done $0x0  }
0x167: {  	[sflag:s30] =	ssyncadd.s32 $0xFFFFD800  }
0x168: {  	[spmem:s3] =	stream.indirect.scatter.add.f32 [tilespmem:s22], [sflag:$0x6], $0x80, s21, s17, $0xb8;
	[tilespmem:$0x1E400] =	vst v63  }
0x169: {  	_ =	swait.ge [sflag:s31], $0x2800  }
0x16a: {  	[sflag:s31] =	ssyncset.done $0x0  }
0x16b: {  	[sflag:s31] =	ssyncadd.s32 $0xFFFFD800  }
0x16c: {  	[spmem:s3] =	stream.indirect.scatter.add.f32 [tilespmem:s25], [sflag:$0x7], $0x80, s24, s17, $0xb8;
	[tilespmem:$0x1E400] =	vst v63  }
0x16d: {  	_ =	swait.ge [sflag:s0], $0x2800  }
0x16e: {  	[sflag:s0] =	ssyncset.done $0x0  }
0x16f: {  	[sflag:s0] =	ssyncadd.s32 $0xFFFFD800  }
0x170: {  	[spmem:s3] =	stream.indirect.scatter.add.f32 [tilespmem:s28], [sflag:$0x8], $0x80, s26, s17, $0xb8;
	[tilespmem:$0x1E400] =	vst v63  }
0x171: {  	_ =	swait.ge [sflag:s2], $0x2800  }
0x172: {  	[sflag:s2] =	ssyncset.done $0x0  }
0x173: {  	[sflag:s2] =	ssyncadd.s32 $0xFFFFD800  }
0x174: {  	_ =	swait.ge [sflag:s7], $0x2800  }
0x175: {  	[sflag:s7] =	ssyncset.done $0x0  }
0x176: {  	[sflag:s7] =	ssyncadd.s32 $0xFFFFD800  }
.Ltmp5:
0x177: {  	_ =	swait.ge [sflag:s8], $0x2800;
	(pc) =	sbr.rel @!p1 .LBB2_3-.Ltmp5, $4  }
0x178: {  	[sflag:s8] =	ssyncset.done $0x0  }
0x179: {  	[sflag:s8] =	ssyncadd.s32 $0xFFFFD800  }
0x17a: {  	_ =	swait.ge [sflag:s6], $0x2800  }
0x17b: {  	s9 =	smov.u32 s11;
	[sflag:s6] =	ssyncset.done $0x0  }
0x17c: {  	s1 =	sadd.s32 s10, s16;
	[sflag:s6] =	ssyncadd.s32 $0xFFFFD800  }
0x17d: {  	[tilespmem:s4], [sflag:$0x9] =	stream.linear.gather [hbm4b:s1+s4], $0x50, $0x38;
	[tilespmem:$0x1E400] =	vst v63  }
0x17e: {  	_ =	swait.ge [sflag:s15], $0x50  }
0x17f: {  	[sflag:s15] =	ssyncset.done $0x0  }
0x180: {  	s9 =	sadd.s32 s10, s13;
	[sflag:s15] =	ssyncadd.s32 $0xFFFFFFB0  }
0x181: {  	[tilespmem:s18], [sflag:$0x9] =	stream.linear.gather [hbm4b:s9+s4], $0x50, $0x38;
	[tilespmem:$0x1E400] =	vst v63  }
0x182: {  	_ =	swait.ge [sflag:s15], $0x50  }
0x183: {  	[sflag:s15] =	ssyncset.done $0x0  }
0x184: {  	[sflag:s15] =	ssyncadd.s32 $0xFFFFFFB0  }
0x185: {  	[tilespmem:s19], [sflag:$0x1] =	stream.indirect.gather [hbm4b:s12+s17], $0x80, s4, s17, $0xb8;
	[tilespmem:$0x1E400] =	vst v63  }
0x186: {  	s13 =	sadd.s32 $0xA, s1  }
0x187: {  	[tilespmem:s20], [sflag:$0x9] =	stream.linear.gather [hbm4b:s13+s4], $0x50, $0x38;
	[tilespmem:$0x1E400] =	vst v63  }
0x188: {  	_ =	swait.ge [sflag:s15], $0x50  }
0x189: {  	[sflag:s15] =	ssyncset.done $0x0  }
0x18a: {  	s11 =	sadd.s32 $0xA, s9;
	[sflag:s15] =	ssyncadd.s32 $0xFFFFFFB0  }
0x18b: {  	[tilespmem:s21], [sflag:$0x9] =	stream.linear.gather [hbm4b:s11+s4], $0x50, $0x38;
	[tilespmem:$0x1E400] =	vst v63  }
0x18c: {  	_ =	swait.ge [sflag:s15], $0x50  }
0x18d: {  	[sflag:s15] =	ssyncset.done $0x0  }
0x18e: {  	[sflag:s15] =	ssyncadd.s32 $0xFFFFFFB0  }
0x18f: {  	[tilespmem:s22], [sflag:$0x2] =	stream.indirect.gather [hbm4b:s12+s17], $0x80, s20, s17, $0xb8;
	[tilespmem:$0x1E400] =	vst v63  }
0x190: {  	s13 =	sadd.s32 $0x14, s1  }
0x191: {  	[tilespmem:s23], [sflag:$0x9] =	stream.linear.gather [hbm4b:s13+s4], $0x50, $0x38;
	[tilespmem:$0x1E400] =	vst v63  }
0x192: {  	_ =	swait.ge [sflag:s15], $0x50  }
0x193: {  	[sflag:s15] =	ssyncset.done $0x0  }
0x194: {  	s20 =	sadd.s32 $0x14, s9;
	[sflag:s15] =	ssyncadd.s32 $0xFFFFFFB0  }
0x195: {  	[tilespmem:s24], [sflag:$0x9] =	stream.linear.gather [hbm4b:s20+s4], $0x50, $0x38;
	[tilespmem:$0x1E400] =	vst v63  }
0x196: {  	_ =	swait.ge [sflag:s15], $0x50  }
0x197: {  	[sflag:s15] =	ssyncset.done $0x0  }
0x198: {  	[sflag:s15] =	ssyncadd.s32 $0xFFFFFFB0  }
0x199: {  	[tilespmem:s25], [sflag:$0x3] =	stream.indirect.gather [hbm4b:s12+s17], $0x80, s23, s17, $0xb8;
	[tilespmem:$0x1E400] =	vst v63  }
0x19a: {  	s1 =	sadd.s32 $0x1E, s1  }
0x19b: {  	[tilespmem:s14], [sflag:$0x9] =	stream.linear.gather [hbm4b:s1+s4], $0x50, $0x38;
	[tilespmem:$0x1E400] =	vst v63  }
0x19c: {  	_ =	swait.ge [sflag:s15], $0x50  }
0x19d: {  	[sflag:s15] =	ssyncset.done $0x0  }
0x19e: {  	s23 =	sadd.s32 $0x1E, s9;
	[sflag:s15] =	ssyncadd.s32 $0xFFFFFFB0  }
0x19f: {  	[tilespmem:s26], [sflag:$0x9] =	stream.linear.gather [hbm4b:s23+s4], $0x50, $0x38;
	[tilespmem:$0x1E400] =	vst v63  }
0x1a0: {  	_ =	swait.ge [sflag:s15], $0x50  }
0x1a1: {  	[sflag:s15] =	ssyncset.done $0x0  }
0x1a2: {  	[sflag:s15] =	ssyncadd.s32 $0xFFFFFFB0  }
0x1a3: {  	[tilespmem:s28], [sflag:$0x4] =	stream.indirect.gather [hbm4b:s12+s17], $0x80, s14, s17, $0xb8;
	[tilespmem:$0x1E400] =	vst v63  }
0x1a4: {  	_ =	swait.ge [sflag:s29], $0x2800  }
0x1a5: {  	[sflag:s29] =	ssyncset.done $0x0  }
0x1a6: {  	[sflag:s29] =	ssyncadd.s32 $0xFFFFD800  }
0x1a7: {  	[spmem:s3] =	stream.indirect.scatter.add.f32 [tilespmem:s19], [sflag:$0x5], $0x80, s18, s17, $0xb8;
	[tilespmem:$0x1E400] =	vst v63  }
0x1a8: {  	_ =	swait.ge [sflag:s30], $0x2800  }
0x1a9: {  	[sflag:s30] =	ssyncset.done $0x0  }
0x1aa: {  	[sflag:s30] =	ssyncadd.s32 $0xFFFFD800  }
0x1ab: {  	[spmem:s3] =	stream.indirect.scatter.add.f32 [tilespmem:s22], [sflag:$0x6], $0x80, s21, s17, $0xb8;
	[tilespmem:$0x1E400] =	vst v63  }
0x1ac: {  	_ =	swait.ge [sflag:s31], $0x2800  }
0x1ad: {  	[sflag:s31] =	ssyncset.done $0x0  }
0x1ae: {  	[sflag:s31] =	ssyncadd.s32 $0xFFFFD800  }
0x1af: {  	[spmem:s3] =	stream.indirect.scatter.add.f32 [tilespmem:s25], [sflag:$0x7], $0x80, s24, s17, $0xb8;
	[tilespmem:$0x1E400] =	vst v63  }
0x1b0: {  	_ =	swait.ge [sflag:s0], $0x2800  }
0x1b1: {  	[sflag:s0] =	ssyncset.done $0x0  }
0x1b2: {  	[sflag:s0] =	ssyncadd.s32 $0xFFFFD800  }
0x1b3: {  	[spmem:s3] =	stream.indirect.scatter.add.f32 [tilespmem:s28], [sflag:$0x8], $0x80, s26, s17, $0xb8;
	[tilespmem:$0x1E400] =	vst v63  }
0x1b4: {  	_ =	swait.ge [sflag:s2], $0x2800  }
0x1b5: {  	[sflag:s2] =	ssyncset.done $0x0  }
0x1b6: {  	[sflag:s2] =	ssyncadd.s32 $0xFFFFD800  }
0x1b7: {  	_ =	swait.ge [sflag:s7], $0x2800  }
0x1b8: {  	[sflag:s7] =	ssyncset.done $0x0  }
0x1b9: {  	[sflag:s7] =	ssyncadd.s32 $0xFFFFD800  }
0x1ba: {  	_ =	swait.ge [sflag:s8], $0x2800  }
0x1bb: {  	[sflag:s8] =	ssyncset.done $0x0  }
.Ltmp6:
0x1bc: {  	[sflag:s8] =	ssyncadd.s32 $0xFFFFD800;
	(pc) =	sbr.rel .LBB2_8-.Ltmp6, $4  }
0x1bd: {  	s11 =	simm.s32 $0x200;
	_ =	swait.ge [sflag:s6], $0x2800  }
0x1be: {  	s13 =	smov.u32 s16;
	s20 =	simm.s32 $0x2C00;
	s9 =	rddreg [dreg:$0x5]  }
0x1bf: {  	s14 =	simm.s32 $0x400;
	[sflag:s6] =	ssyncset.done $0x0;
	s16 =	rddreg [dreg:$0xb]  }
0x1c0: {  	s19 =	simm.s32 $0x280;
	s10 =	rddreg [dreg:$0xc];
	[sflag:s6] =	ssyncadd.s32 $0xFFFFD800  }
.LBB2_9:
0x1c1: {  	_ =	sfence.sel $0x180000  }
0x1c2: {  	[bflag:$0x0] =	sbarrier.arrive $0xFFFF  }
0x1c3: {  	_ =	strace $0x9000004A  }
0x1c4: {  	s0 =	stileid.u32;
	[bflag:$0x2] =	sbarrier.arrive $0xFFFF  }
0x1c5: {  	p0 =	sne.s32 s0, $0x0;
	s0 =	rddreg [dreg:$0x3]  }
0x1c6: {  	s0 =	sadd.s32 @!p0 $0x100000, s0  }
0x1c7: {  	[sflag:s0] =	ssyncadd.tile.s32 @!p0 $0x1;
	_ =	shalt  }
.Lfunc_end2:
_tile_overlayer_lowered:
.L_overlay_start_2:
0x1c8: {  	(tag) =	ssettag $0x2  }
0x1c9: {  	s0 =	rddreg [dreg:$0x0];
	s2 =	stileid.u32  }
0x1ca: {  	s1 =	rddreg [dreg:$0x1];
	p0 =	sne.s32 s2, $0x0  }
0x1cb: {  	s3 =	rddreg [dreg:$0x2];
	[bflag:$0x3] =	sbarrier.arrive $0xFFFF;
	s2 =	simm.s32 @!p0 $0x1C09  }
0x1cc: {  	[timem:s3], [sflag:s2] =	dma.local @!p0 [hbm:s0], s1  }
0x1cd: {  	s0 =	simm.s32 @!p0 $0x9  }
0x1ce: {  	_ =	swait.ge @!p0 [sflag:s0], s1  }
0x1cf: {  	s1 =	ssub.s32 @!p0 $0x0, s1;
	[sflag:s0] =	ssyncset.done @!p0 $0x0  }
0x1d0: {  	[sflag:s0] =	ssyncadd.s32 @!p0 s1  }
0x1d1: {  	[bflag:$0x3] =	sbarrier.arrive $0xFFFF  }
0x1d2: {  	_ =	shalt  }

</sc_bundles>
